<compile_context>
chip_gen: v7x
topology: tpu7x:2x2x1
jax: 0.10.2.dev20260603
libtpu: 0.0.44.dev20260713+nightly
codegen_flags: <defaults>
</compile_context>

<pallas_src>
import functools
import math

import jax
import jax.numpy as jnp
from jax import lax
from jax.experimental import pallas as pl
from jax.experimental.pallas import tpu as pltpu
from jax.experimental.pallas import tpu_sc as plsc

SEQ = 200
D = 64
BATCH = 4096
N = BATCH * SEQ

NC = 2
NS = 16
NW = NC * NS

NBB = BATCH // 128
UNITS = NBB // 2
SCALE = math.sqrt(float(D))


def _positional_encoding():
    position = jnp.arange(0, SEQ, 1, dtype=jnp.float32).reshape(-1, 1)
    multiplication = jnp.exp(
        -jnp.arange(0, D * 2, 2, dtype=jnp.float32) * math.log(10000.0) / D)
    excessive = position * multiplication
    pe = jnp.zeros((SEQ, D), dtype=jnp.float32)
    pe = pe.at[:, 0::2].set(jnp.sin(excessive[:, 0::2]))
    pe = pe.at[:, 1::2].set(jnp.cos(excessive[:, 1::2]))
    return pe


def _body(t_hbm, s_hbm, pe_hbm, out_hbm, idx_v, pe_v, rows0, rows1, stage0,
          stage1, gsem0, gsem1, osem0, osem1):
    wid = lax.axis_index("s") * NC + lax.axis_index("c")
    iota = lax.iota(jnp.int32, 16)
    rows = (rows0, rows1)
    stage = (stage0, stage1)
    gsem = (gsem0, gsem1)
    osem = (osem0, osem1)

    def issue_gather(u, b):
        pltpu.async_copy(t_hbm.at[idx_v.at[2 * u]],
                         rows[b].at[pl.ds(0, 128)], gsem[b])
        pltpu.async_copy(t_hbm.at[idx_v.at[2 * u + 1]],
                         rows[b].at[pl.ds(128, 128)], gsem[b])

    def wait_gather(u, b):
        pltpu.make_async_copy(t_hbm.at[idx_v.at[2 * u]],
                              rows[b].at[pl.ds(0, 128)], gsem[b]).wait()
        pltpu.make_async_copy(t_hbm.at[idx_v.at[2 * u + 1]],
                              rows[b].at[pl.ds(128, 128)], gsem[b]).wait()

    def wait_out(s, u, b):
        pltpu.make_async_copy(stage[b], out_hbm.at[s, :, pl.ds(2 * u, 2)],
                              osem[b]).wait()

    def slab_loop(si, carry):
        s = si * NW + wid
        pltpu.sync_copy(s_hbm.at[s], idx_v)
        pltpu.sync_copy(pe_hbm.at[s], pe_v)
        issue_gather(0, 0)
        issue_gather(1, 1)

        def pair_loop(p, c2):
            for b in range(2):
                u = 2 * p + b
                wait_gather(u, b)
                @pl.when(p > 0)
                def _():
                    wait_out(s, u - 2, b)

                rb = rows[b]
                sb = stage[b]

                @functools.partial(plsc.parallel_loop, 0, D, unroll=8)
                def d_loop(d):
                    dblk = d // 8
                    dr = d - dblk * 8
                    pe_vec = pe_v[pl.ds(d * 16, 16)]
                    col_idx = jnp.broadcast_to(d, (16,)).astype(jnp.int32)
                    for j in range(16):
                        v = plsc.load_gather(rb, [iota + (j * 16), col_idx])
                        sb[dblk, j // 8, dr, pl.ds((j % 8) * 16, 16)] = (
                            v * SCALE + pe_vec)

                pltpu.async_copy(sb, out_hbm.at[s, :, pl.ds(2 * u, 2)],
                                 osem[b])

                @pl.when(p < UNITS // 2 - 1)
                def _():
                    issue_gather(u + 2, b)
            return c2

        lax.fori_loop(0, UNITS // 2, pair_loop, 0)
        wait_out(s, UNITS - 2, 0)
        wait_out(s, UNITS - 1, 1)
        return carry

    nslab = jnp.where(wid < (SEQ - (SEQ // NW) * NW), SEQ // NW + 1, SEQ // NW)
    lax.fori_loop(0, nslab, slab_loop, 0)


@jax.jit
def _run(stream_t3, table, pe_rep):
    mesh = plsc.VectorSubcoreMesh(core_axis_name="c", subcore_axis_name="s",
                                  num_cores=NC, num_subcores=NS)
    f = pl.kernel(
        _body,
        out_type=jax.ShapeDtypeStruct((SEQ, 8, NBB, 8, 128), jnp.float32),
        mesh=mesh,
        scratch_types=[
            pltpu.VMEM((NBB, 128), jnp.int32),
            pltpu.VMEM((D * 16,), jnp.float32),
            pltpu.VMEM((256, D), jnp.float32),
            pltpu.VMEM((256, D), jnp.float32),
            pltpu.VMEM((8, 2, 8, 128), jnp.float32),
            pltpu.VMEM((8, 2, 8, 128), jnp.float32),
            pltpu.SemaphoreType.DMA,
            pltpu.SemaphoreType.DMA,
            pltpu.SemaphoreType.DMA,
            pltpu.SemaphoreType.DMA,
        ],
        compiler_params=pltpu.CompilerParams(use_tc_tiling_on_sc=False,
                                             needs_layout_passes=False),
    )
    return f(table, stream_t3, pe_rep)


def kernel(stream, table):
    pe = _positional_encoding()
    pe_rep = jnp.repeat(pe, 16, axis=1)
    stream_t3 = stream.T.reshape(SEQ, NBB, 128)
    out5 = _run(stream_t3, table, pe_rep)
    return out5.transpose(2, 4, 0, 1, 3).reshape(BATCH, SEQ, D)

# --- scband reference (transcript-rebuilt; emitter-appended) ---
"""Pipeline reference for scband-stream-layer-57956288692488 (READ-ONLY COPY).

The authoritative reference and input builder live on the scoring server;
editing this copy changes nothing except your own understanding.
"""

import jax, jax.numpy as jnp
import numpy as np
import math

SEQ_LEN = 200
EMB_NUM = 1000000
EMB_DIM = 64
BATCH = 4096


def positional_encoding(seq_len, emb_dim):
    position = jnp.arange(0, seq_len, 1, dtype=jnp.float32).reshape(-1, 1)
    multiplication = jnp.exp(-jnp.arange(0, emb_dim * 2, 2, dtype=jnp.float32) * math.log(10000.0) / emb_dim)
    excessive = position * multiplication
    pe = jnp.zeros((seq_len, emb_dim), dtype=jnp.float32)
    pe = pe.at[:, 0::2].set(jnp.sin(excessive[:, 0::2]))
    pe = pe.at[:, 1::2].set(jnp.cos(excessive[:, 1::2]))
    return pe


def setup_inputs(seed: int = 0) -> dict:
    key = jax.random.key(seed)
    k1, k2 = jax.random.split(key)
    stream = jax.random.randint(k1, (BATCH, SEQ_LEN), 0, EMB_NUM, dtype=jnp.int32)
    # nn.Embedding default init: N(0, 1)
    table = jax.random.normal(k2, (EMB_NUM, EMB_DIM), dtype=jnp.float32)
    return {"stream": stream, "table": table}


def reference(stream, table):
    # dropout with p=0.0 (or eval mode) is identity
    emb = jnp.take(table, stream, axis=0)  # [B, S, D] gather
    pe = positional_encoding(SEQ_LEN, EMB_DIM)  # [S, D]
    out = emb * math.sqrt(float(EMB_DIM)) + pe[None, :, :]
    return out

if __name__ == "__main__":
    import jax
    _d = setup_inputs()
    print(jax.jit(kernel)(*tuple(_d.values())))

</pallas_src>

<mosaic_0001>
#map = affine_map<(d0, d1) -> (0, 0)>
#map1 = affine_map<(d0, d1) -> (0, 0, 0)>
#map2 = affine_map<(d0, d1) -> (0, 0, 0, 0, 0)>
module attributes {stable_mosaic.version = 14 : i64} {
  func.func @_body(%arg0: i32, %arg1: i32, %arg2: memref<1000000x64xf32, #tpu.memory_space<hbm>>, %arg3: memref<200x32x128xi32, #tpu.memory_space<hbm>>, %arg4: memref<200x1024xf32, #tpu.memory_space<hbm>>, %arg5: memref<200x8x32x8x128xf32, #tpu.memory_space<hbm>>, %arg6: memref<32x128xi32, #tpu.memory_space<vmem>>, %arg7: memref<1024xf32, #tpu.memory_space<vmem>>, %arg8: memref<256x64xf32, #tpu.memory_space<vmem>>, %arg9: memref<256x64xf32, #tpu.memory_space<vmem>>, %arg10: memref<8x2x8x128xf32, #tpu.memory_space<vmem>>, %arg11: memref<8x2x8x128xf32, #tpu.memory_space<vmem>>, %arg12: memref<!tpu.dma_semaphore, #tpu.memory_space<semaphore_mem>>, %arg13: memref<!tpu.dma_semaphore, #tpu.memory_space<semaphore_mem>>, %arg14: memref<!tpu.dma_semaphore, #tpu.memory_space<semaphore_mem>>, %arg15: memref<!tpu.dma_semaphore, #tpu.memory_space<semaphore_mem>>) attributes {dimension_semantics = [#tpu.dimension_semantics<core_parallel>, #tpu.dimension_semantics<subcore_parallel>], iteration_bounds = array<i64: 2, 16>, scalar_prefetch = 0 : i64, scratch_operands = 10 : i64, tpu.core_type = #tpu.core_type<sc_vector_subcore>, window_params = [{transform_indices = #map}, {transform_indices = #map1}, {transform_indices = #map}, {transform_indices = #map2}]} {
    %mul3A = arith.constant 2 : i32
    %mul3A_0 = arith.muli %arg1, %mul3A : i32
    %add3A = arith.addi %mul3A_0, %arg0 : i32
    %iota3A = tpu.iota {dimensions = array<i32: 0>} : vector<16xi32>
    %lt3A = arith.constant 8 : i32
    %lt3A_1 = arith.cmpi slt, %add3A, %lt3A : i32
    %jit3A = arith.constant 7 : i32
    %jit3A_2 = arith.constant 6 : i32
    %select_n3A = arith.select %lt3A_1, %jit3A, %jit3A_2 : i32
    %while3A = arith.constant 0 : i32
    %while3A_3 = arith.constant 0 : i32
    %while3A_4 = arith.subi %select_n3A, %while3A_3 : i32
    %while3A_5 = arith.addi %while3A_3, %while3A_4 : i32
    %while3A_6 = arith.constant 1 : i32
    %while3A_7 = arith.divsi %while3A_4, %while3A_6 : i32
    %while3A_8 = arith.muli %while3A_7, %while3A_6 : i32
    %while3A_9 = arith.addi %while3A_3, %while3A_8 : i32
    %while3A_10 = arith.constant 1 : i32
    scf.for %while3A_12 = %while3A_3 to %while3A_9 step %while3A_10  : i32 {
      %mul3A_13 = arith.constant 32 : i32
      %mul3A_14 = arith.muli %while3A_12, %mul3A_13 : i32
      %add3A_15 = arith.addi %mul3A_14, %add3A : i32
      "tpu.region"() ({
        %run_scoped3A = tpu.sem_alloc : memref<!tpu.dma_semaphore, #tpu.memory_space<semaphore_mem>>
        %dma_start3A_83 = arith.constant 0 : i32
        %dma_start3A_84 = arith.constant 0 : i32
        %dma_start3A_85 = tpu.memref_slice %arg3[%add3A_15, %dma_start3A_83, %dma_start3A_84] : memref<200x32x128xi32, #tpu.memory_space<hbm>> -> memref<1x32x128xi32, #tpu.memory_space<hbm>>
        %dma_start3A_86 = tpu.memref_squeeze %dma_start3A_85 : memref<1x32x128xi32, #tpu.memory_space<hbm>> -> memref<32x128xi32, #tpu.memory_space<hbm>>
        %dma_start3A_87 = arith.constant 0 : i32
        %dma_start3A_88 = arith.constant 0 : i32
        %dma_start3A_89 = tpu.memref_slice %arg3[%add3A_15, %dma_start3A_87, %dma_start3A_88] : memref<200x32x128xi32, #tpu.memory_space<hbm>> -> memref<1x32x128xi32, #tpu.memory_space<hbm>>
        %dma_start3A_90 = tpu.memref_squeeze %dma_start3A_89 : memref<1x32x128xi32, #tpu.memory_space<hbm>> -> memref<32x128xi32, #tpu.memory_space<hbm>>
        tpu.enqueue_dma source(%dma_start3A_90 : memref<32x128xi32, #tpu.memory_space<hbm>>) target(%arg6 : memref<32x128xi32, #tpu.memory_space<vmem>>) target_semaphore(%run_scoped3A : memref<!tpu.dma_semaphore, #tpu.memory_space<semaphore_mem>>)
        %dma_wait3A_91 = arith.constant 0 : i32
        %dma_wait3A_92 = arith.constant 0 : i32
        %dma_wait3A_93 = tpu.memref_slice %arg3[%add3A_15, %dma_wait3A_91, %dma_wait3A_92] : memref<200x32x128xi32, #tpu.memory_space<hbm>> -> memref<1x32x128xi32, #tpu.memory_space<hbm>>
        %dma_wait3A_94 = tpu.memref_squeeze %dma_wait3A_93 : memref<1x32x128xi32, #tpu.memory_space<hbm>> -> memref<32x128xi32, #tpu.memory_space<hbm>>
        %dma_wait3A_95 = arith.constant 0 : i32
        %dma_wait3A_96 = arith.constant 0 : i32
        %dma_wait3A_97 = tpu.memref_slice %arg3[%add3A_15, %dma_wait3A_95, %dma_wait3A_96] : memref<200x32x128xi32, #tpu.memory_space<hbm>> -> memref<1x32x128xi32, #tpu.memory_space<hbm>>
        %dma_wait3A_98 = tpu.memref_squeeze %dma_wait3A_97 : memref<1x32x128xi32, #tpu.memory_space<hbm>> -> memref<32x128xi32, #tpu.memory_space<hbm>>
        tpu.wait_dma2 semaphore(%run_scoped3A : memref<!tpu.dma_semaphore, #tpu.memory_space<semaphore_mem>>) src(%dma_wait3A_98 : memref<32x128xi32, #tpu.memory_space<hbm>>) dst(%arg6 : memref<32x128xi32, #tpu.memory_space<vmem>>)
        tpu.yield
      }) : () -> ()
      "tpu.region"() ({
        %run_scoped3A = tpu.sem_alloc : memref<!tpu.dma_semaphore, #tpu.memory_space<semaphore_mem>>
        %dma_start3A_83 = arith.constant 0 : i32
        %dma_start3A_84 = tpu.memref_slice %arg4[%add3A_15, %dma_start3A_83] : memref<200x1024xf32, #tpu.memory_space<hbm>> -> memref<1x1024xf32, #tpu.memory_space<hbm>>
        %dma_start3A_85 = tpu.memref_squeeze %dma_start3A_84 : memref<1x1024xf32, #tpu.memory_space<hbm>> -> memref<1024xf32, #tpu.memory_space<hbm>>
        %dma_start3A_86 = arith.constant 0 : i32
        %dma_start3A_87 = tpu.memref_slice %arg4[%add3A_15, %dma_start3A_86] : memref<200x1024xf32, #tpu.memory_space<hbm>> -> memref<1x1024xf32, #tpu.memory_space<hbm>>
        %dma_start3A_88 = tpu.memref_squeeze %dma_start3A_87 : memref<1x1024xf32, #tpu.memory_space<hbm>> -> memref<1024xf32, #tpu.memory_space<hbm>>
        tpu.enqueue_dma source(%dma_start3A_88 : memref<1024xf32, #tpu.memory_space<hbm>>) target(%arg7 : memref<1024xf32, #tpu.memory_space<vmem>>) target_semaphore(%run_scoped3A : memref<!tpu.dma_semaphore, #tpu.memory_space<semaphore_mem>>)
        %dma_wait3A_89 = arith.constant 0 : i32
        %dma_wait3A_90 = tpu.memref_slice %arg4[%add3A_15, %dma_wait3A_89] : memref<200x1024xf32, #tpu.memory_space<hbm>> -> memref<1x1024xf32, #tpu.memory_space<hbm>>
        %dma_wait3A_91 = tpu.memref_squeeze %dma_wait3A_90 : memref<1x1024xf32, #tpu.memory_space<hbm>> -> memref<1024xf32, #tpu.memory_space<hbm>>
        %dma_wait3A_92 = arith.constant 0 : i32
        %dma_wait3A_93 = tpu.memref_slice %arg4[%add3A_15, %dma_wait3A_92] : memref<200x1024xf32, #tpu.memory_space<hbm>> -> memref<1x1024xf32, #tpu.memory_space<hbm>>
        %dma_wait3A_94 = tpu.memref_squeeze %dma_wait3A_93 : memref<1x1024xf32, #tpu.memory_space<hbm>> -> memref<1024xf32, #tpu.memory_space<hbm>>
        tpu.wait_dma2 semaphore(%run_scoped3A : memref<!tpu.dma_semaphore, #tpu.memory_space<semaphore_mem>>) src(%dma_wait3A_94 : memref<1024xf32, #tpu.memory_space<hbm>>) dst(%arg7 : memref<1024xf32, #tpu.memory_space<vmem>>)
        tpu.yield
      }) : () -> ()
      %dma_start3A = arith.constant 0 : i32
      %dma_start3A_16 = arith.constant 0 : i32
      %dma_start3A_17 = arith.constant 0 : i32
      %dma_start3A_18 = tpu.memref_slice %arg8[%dma_start3A_16, %dma_start3A_17] : memref<256x64xf32, #tpu.memory_space<vmem>> -> memref<128x64xf32, #tpu.memory_space<vmem>>
      %dma_start3A_19 = arith.constant 0 : i32
      %dma_start3A_20 = tpu.memref_slice %arg6[%dma_start3A, %dma_start3A_19] : memref<32x128xi32, #tpu.memory_space<vmem>> -> memref<1x128xi32, #tpu.memory_space<vmem>>
      %dma_start3A_21 = tpu.memref_squeeze %dma_start3A_20 : memref<1x128xi32, #tpu.memory_space<vmem>> -> memref<128xi32, #tpu.memory_space<vmem>>
      %dma_start3A_22 = arith.constant 0 : i32
      %dma_start3A_23 = arith.constant 0 : i32
      %dma_start3A_24 = tpu.memref_slice %arg2[%dma_start3A_22, %dma_start3A_23] : memref<1000000x64xf32, #tpu.memory_space<hbm>> -> memref<1000000x64xf32, #tpu.memory_space<hbm>>
      tpu.enqueue_indirect_dma source(%dma_start3A_24 : memref<1000000x64xf32, #tpu.memory_space<hbm>>) target(%dma_start3A_18 : memref<128x64xf32, #tpu.memory_space<vmem>>) offsets(%dma_start3A_21 : memref<128xi32, #tpu.memory_space<vmem>>) semaphore(%arg12 : memref<!tpu.dma_semaphore, #tpu.memory_space<semaphore_mem>>)
      %dma_start3A_25 = arith.constant 1 : i32
      %dma_start3A_26 = arith.constant 128 : i32
      %dma_start3A_27 = arith.constant 0 : i32
      %dma_start3A_28 = tpu.memref_slice %arg8[%dma_start3A_26, %dma_start3A_27] : memref<256x64xf32, #tpu.memory_space<vmem>> -> memref<128x64xf32, #tpu.memory_space<vmem>>
      %dma_start3A_29 = arith.constant 0 : i32
      %dma_start3A_30 = tpu.memref_slice %arg6[%dma_start3A_25, %dma_start3A_29] : memref<32x128xi32, #tpu.memory_space<vmem>> -> memref<1x128xi32, #tpu.memory_space<vmem>>
      %dma_start3A_31 = tpu.memref_squeeze %dma_start3A_30 : memref<1x128xi32, #tpu.memory_space<vmem>> -> memref<128xi32, #tpu.memory_space<vmem>>
      %dma_start3A_32 = arith.constant 0 : i32
      %dma_start3A_33 = arith.constant 0 : i32
      %dma_start3A_34 = tpu.memref_slice %arg2[%dma_start3A_32, %dma_start3A_33] : memref<1000000x64xf32, #tpu.memory_space<hbm>> -> memref<1000000x64xf32, #tpu.memory_space<hbm>>
      tpu.enqueue_indirect_dma source(%dma_start3A_34 : memref<1000000x64xf32, #tpu.memory_space<hbm>>) target(%dma_start3A_28 : memref<128x64xf32, #tpu.memory_space<vmem>>) offsets(%dma_start3A_31 : memref<128xi32, #tpu.memory_space<vmem>>) semaphore(%arg12 : memref<!tpu.dma_semaphore, #tpu.memory_space<semaphore_mem>>)
      %dma_start3A_35 = arith.constant 2 : i32
      %dma_start3A_36 = arith.constant 0 : i32
      %dma_start3A_37 = arith.constant 0 : i32
      %dma_start3A_38 = tpu.memref_slice %arg9[%dma_start3A_36, %dma_start3A_37] : memref<256x64xf32, #tpu.memory_space<vmem>> -> memref<128x64xf32, #tpu.memory_space<vmem>>
      %dma_start3A_39 = arith.constant 0 : i32
      %dma_start3A_40 = tpu.memref_slice %arg6[%dma_start3A_35, %dma_start3A_39] : memref<32x128xi32, #tpu.memory_space<vmem>> -> memref<1x128xi32, #tpu.memory_space<vmem>>
      %dma_start3A_41 = tpu.memref_squeeze %dma_start3A_40 : memref<1x128xi32, #tpu.memory_space<vmem>> -> memref<128xi32, #tpu.memory_space<vmem>>
      %dma_start3A_42 = arith.constant 0 : i32
      %dma_start3A_43 = arith.constant 0 : i32
      %dma_start3A_44 = tpu.memref_slice %arg2[%dma_start3A_42, %dma_start3A_43] : memref<1000000x64xf32, #tpu.memory_space<hbm>> -> memref<1000000x64xf32, #tpu.memory_space<hbm>>
      tpu.enqueue_indirect_dma source(%dma_start3A_44 : memref<1000000x64xf32, #tpu.memory_space<hbm>>) target(%dma_start3A_38 : memref<128x64xf32, #tpu.memory_space<vmem>>) offsets(%dma_start3A_41 : memref<128xi32, #tpu.memory_space<vmem>>) semaphore(%arg13 : memref<!tpu.dma_semaphore, #tpu.memory_space<semaphore_mem>>)
      %dma_start3A_45 = arith.constant 3 : i32
      %dma_start3A_46 = arith.constant 128 : i32
      %dma_start3A_47 = arith.constant 0 : i32
      %dma_start3A_48 = tpu.memref_slice %arg9[%dma_start3A_46, %dma_start3A_47] : memref<256x64xf32, #tpu.memory_space<vmem>> -> memref<128x64xf32, #tpu.memory_space<vmem>>
      %dma_start3A_49 = arith.constant 0 : i32
      %dma_start3A_50 = tpu.memref_slice %arg6[%dma_start3A_45, %dma_start3A_49] : memref<32x128xi32, #tpu.memory_space<vmem>> -> memref<1x128xi32, #tpu.memory_space<vmem>>
      %dma_start3A_51 = tpu.memref_squeeze %dma_start3A_50 : memref<1x128xi32, #tpu.memory_space<vmem>> -> memref<128xi32, #tpu.memory_space<vmem>>
      %dma_start3A_52 = arith.constant 0 : i32
      %dma_start3A_53 = arith.constant 0 : i32
      %dma_start3A_54 = tpu.memref_slice %arg2[%dma_start3A_52, %dma_start3A_53] : memref<1000000x64xf32, #tpu.memory_space<hbm>> -> memref<1000000x64xf32, #tpu.memory_space<hbm>>
      tpu.enqueue_indirect_dma source(%dma_start3A_54 : memref<1000000x64xf32, #tpu.memory_space<hbm>>) target(%dma_start3A_48 : memref<128x64xf32, #tpu.memory_space<vmem>>) offsets(%dma_start3A_51 : memref<128xi32, #tpu.memory_space<vmem>>) semaphore(%arg13 : memref<!tpu.dma_semaphore, #tpu.memory_space<semaphore_mem>>)
      %scan3A = arith.constant 0 : i32
      %scan3A_55 = arith.constant 0 : i32
      %scan3A_56 = arith.constant 8 : i32
      %scan3A_57 = arith.addi %scan3A_55, %scan3A_56 : i32
      %scan3A_58 = arith.constant 1 : i32
      scf.for %scan3A_83 = %scan3A_55 to %scan3A_57 step %scan3A_58  : i32 {
        %mul3A_84 = arith.constant 2 : i32
        %mul3A_85 = arith.muli %mul3A_84, %scan3A_83 : i32
        %add3A_86 = arith.constant 0 : i32
        %add3A_87 = arith.addi %mul3A_85, %add3A_86 : i32
        %mul3A_88 = arith.constant 2 : i32
        %mul3A_89 = arith.muli %mul3A_88, %add3A_87 : i32
        %dma_wait3A_90 = arith.constant 0 : i32
        %dma_wait3A_91 = arith.constant 0 : i32
        %dma_wait3A_92 = tpu.memref_slice %arg8[%dma_wait3A_90, %dma_wait3A_91] : memref<256x64xf32, #tpu.memory_space<vmem>> -> memref<128x64xf32, #tpu.memory_space<vmem>>
        %dma_wait3A_93 = arith.constant 0 : i32
        %dma_wait3A_94 = tpu.memref_slice %arg6[%mul3A_89, %dma_wait3A_93] : memref<32x128xi32, #tpu.memory_space<vmem>> -> memref<1x128xi32, #tpu.memory_space<vmem>>
        %dma_wait3A_95 = tpu.memref_squeeze %dma_wait3A_94 : memref<1x128xi32, #tpu.memory_space<vmem>> -> memref<128xi32, #tpu.memory_space<vmem>>
        %dma_wait3A_96 = arith.constant 0 : i32
        %dma_wait3A_97 = arith.constant 0 : i32
        %dma_wait3A_98 = tpu.memref_slice %arg2[%dma_wait3A_96, %dma_wait3A_97] : memref<1000000x64xf32, #tpu.memory_space<hbm>> -> memref<1000000x64xf32, #tpu.memory_space<hbm>>
        tpu.wait_indirect_dma semaphore(%arg12 : memref<!tpu.dma_semaphore, #tpu.memory_space<semaphore_mem>>) src(%dma_wait3A_98 : memref<1000000x64xf32, #tpu.memory_space<hbm>>) dst(%dma_wait3A_92 : memref<128x64xf32, #tpu.memory_space<vmem>>)
        %mul3A_99 = arith.constant 2 : i32
        %mul3A_100 = arith.muli %mul3A_99, %add3A_87 : i32
        %add3A_101 = arith.constant 1 : i32
        %add3A_102 = arith.addi %mul3A_100, %add3A_101 : i32
        %dma_wait3A_103 = arith.constant 128 : i32
        %dma_wait3A_104 = arith.constant 0 : i32
        %dma_wait3A_105 = tpu.memref_slice %arg8[%dma_wait3A_103, %dma_wait3A_104] : memref<256x64xf32, #tpu.memory_space<vmem>> -> memref<128x64xf32, #tpu.memory_space<vmem>>
        %dma_wait3A_106 = arith.constant 0 : i32
        %dma_wait3A_107 = tpu.memref_slice %arg6[%add3A_102, %dma_wait3A_106] : memref<32x128xi32, #tpu.memory_space<vmem>> -> memref<1x128xi32, #tpu.memory_space<vmem>>
        %dma_wait3A_108 = tpu.memref_squeeze %dma_wait3A_107 : memref<1x128xi32, #tpu.memory_space<vmem>> -> memref<128xi32, #tpu.memory_space<vmem>>
        %dma_wait3A_109 = arith.constant 0 : i32
        %dma_wait3A_110 = arith.constant 0 : i32
        %dma_wait3A_111 = tpu.memref_slice %arg2[%dma_wait3A_109, %dma_wait3A_110] : memref<1000000x64xf32, #tpu.memory_space<hbm>> -> memref<1000000x64xf32, #tpu.memory_space<hbm>>
        tpu.wait_indirect_dma semaphore(%arg12 : memref<!tpu.dma_semaphore, #tpu.memory_space<semaphore_mem>>) src(%dma_wait3A_111 : memref<1000000x64xf32, #tpu.memory_space<hbm>>) dst(%dma_wait3A_105 : memref<128x64xf32, #tpu.memory_space<vmem>>)
        %gt3A = arith.constant 0 : i32
        %gt3A_112 = arith.cmpi sgt, %scan3A_83, %gt3A : i32
        %convert_element_type3A = arith.extui %gt3A_112 : i1 to i32
        %cond3A = arith.constant 0 : i32
        %cond3A_113 = arith.cmpi ne, %convert_element_type3A, %cond3A : i32
        scf.if %cond3A_113 {
          %sub3A = arith.constant 2 : i32
          %sub3A_181 = arith.subi %add3A_87, %sub3A : i32
          %mul3A_182 = arith.constant 2 : i32
          %mul3A_183 = arith.muli %mul3A_182, %sub3A_181 : i32
          %dma_wait3A_184 = arith.constant 0 : i32
          %dma_wait3A_185 = arith.constant 0 : i32
          %dma_wait3A_186 = arith.constant 0 : i32
          %dma_wait3A_187 = tpu.memref_slice %arg5[%add3A_15, %dma_wait3A_184, %mul3A_183, %dma_wait3A_185, %dma_wait3A_186] : memref<200x8x32x8x128xf32, #tpu.memory_space<hbm>> -> memref<1x8x2x8x128xf32, #tpu.memory_space<hbm>>
          %dma_wait3A_188 = tpu.memref_squeeze %dma_wait3A_187 : memref<1x8x2x8x128xf32, #tpu.memory_space<hbm>> -> memref<8x2x8x128xf32, #tpu.memory_space<hbm>>
          %dma_wait3A_189 = arith.constant 0 : i32
          %dma_wait3A_190 = arith.constant 0 : i32
          %dma_wait3A_191 = arith.constant 0 : i32
          %dma_wait3A_192 = tpu.memref_slice %arg5[%add3A_15, %dma_wait3A_189, %mul3A_183, %dma_wait3A_190, %dma_wait3A_191] : memref<200x8x32x8x128xf32, #tpu.memory_space<hbm>> -> memref<1x8x2x8x128xf32, #tpu.memory_space<hbm>>
          %dma_wait3A_193 = tpu.memref_squeeze %dma_wait3A_192 : memref<1x8x2x8x128xf32, #tpu.memory_space<hbm>> -> memref<8x2x8x128xf32, #tpu.memory_space<hbm>>
          tpu.wait_dma2 semaphore(%arg14 : memref<!tpu.dma_semaphore, #tpu.memory_space<semaphore_mem>>) src(%arg10 : memref<8x2x8x128xf32, #tpu.memory_space<vmem>>) dst(%dma_wait3A_193 : memref<8x2x8x128xf32, #tpu.memory_space<hbm>>)
        } else {
        }
        %mul3A_114 = arith.constant 2 : i32
        %mul3A_115 = arith.muli %mul3A_114, %add3A_87 : i32
        %dma_start3A_116 = arith.constant 0 : i32
        %dma_start3A_117 = arith.constant 0 : i32
        %dma_start3A_118 = arith.constant 0 : i32
        %dma_start3A_119 = tpu.memref_slice %arg5[%add3A_15, %dma_start3A_116, %mul3A_115, %dma_start3A_117, %dma_start3A_118] : memref<200x8x32x8x128xf32, #tpu.memory_space<hbm>> -> memref<1x8x2x8x128xf32, #tpu.memory_space<hbm>>
        %dma_start3A_120 = tpu.memref_squeeze %dma_start3A_119 : memref<1x8x2x8x128xf32, #tpu.memory_space<hbm>> -> memref<8x2x8x128xf32, #tpu.memory_space<hbm>>
        %dma_start3A_121 = arith.constant 0 : i32
        %dma_start3A_122 = arith.constant 0 : i32
        %dma_start3A_123 = arith.constant 0 : i32
        %dma_start3A_124 = tpu.memref_slice %arg5[%add3A_15, %dma_start3A_121, %mul3A_115, %dma_start3A_122, %dma_start3A_123] : memref<200x8x32x8x128xf32, #tpu.memory_space<hbm>> -> memref<1x8x2x8x128xf32, #tpu.memory_space<hbm>>
        %dma_start3A_125 = tpu.memref_squeeze %dma_start3A_124 : memref<1x8x2x8x128xf32, #tpu.memory_space<hbm>> -> memref<8x2x8x128xf32, #tpu.memory_space<hbm>>
        tpu.enqueue_dma source(%arg10 : memref<8x2x8x128xf32, #tpu.memory_space<vmem>>) target(%dma_start3A_125 : memref<8x2x8x128xf32, #tpu.memory_space<hbm>>) target_semaphore(%arg14 : memref<!tpu.dma_semaphore, #tpu.memory_space<semaphore_mem>>)
        %lt3A_126 = arith.constant 7 : i32
        %lt3A_127 = arith.cmpi slt, %scan3A_83, %lt3A_126 : i32
        %convert_element_type3A_128 = arith.extui %lt3A_127 : i1 to i32
        %cond3A_129 = arith.constant 0 : i32
        %cond3A_130 = arith.cmpi ne, %convert_element_type3A_128, %cond3A_129 : i32
        scf.if %cond3A_130 {
          %add3A_181 = arith.constant 2 : i32
          %add3A_182 = arith.addi %add3A_87, %add3A_181 : i32
          %mul3A_183 = arith.constant 2 : i32
          %mul3A_184 = arith.muli %mul3A_183, %add3A_182 : i32
          %dma_start3A_185 = arith.constant 0 : i32
          %dma_start3A_186 = arith.constant 0 : i32
          %dma_start3A_187 = tpu.memref_slice %arg8[%dma_start3A_185, %dma_start3A_186] : memref<256x64xf32, #tpu.memory_space<vmem>> -> memref<128x64xf32, #tpu.memory_space<vmem>>
          %dma_start3A_188 = arith.constant 0 : i32
          %dma_start3A_189 = tpu.memref_slice %arg6[%mul3A_184, %dma_start3A_188] : memref<32x128xi32, #tpu.memory_space<vmem>> -> memref<1x128xi32, #tpu.memory_space<vmem>>
          %dma_start3A_190 = tpu.memref_squeeze %dma_start3A_189 : memref<1x128xi32, #tpu.memory_space<vmem>> -> memref<128xi32, #tpu.memory_space<vmem>>
          %dma_start3A_191 = arith.constant 0 : i32
          %dma_start3A_192 = arith.constant 0 : i32
          %dma_start3A_193 = tpu.memref_slice %arg2[%dma_start3A_191, %dma_start3A_192] : memref<1000000x64xf32, #tpu.memory_space<hbm>> -> memref<1000000x64xf32, #tpu.memory_space<hbm>>
          tpu.enqueue_indirect_dma source(%dma_start3A_193 : memref<1000000x64xf32, #tpu.memory_space<hbm>>) target(%dma_start3A_187 : memref<128x64xf32, #tpu.memory_space<vmem>>) offsets(%dma_start3A_190 : memref<128xi32, #tpu.memory_space<vmem>>) semaphore(%arg12 : memref<!tpu.dma_semaphore, #tpu.memory_space<semaphore_mem>>)
          %mul3A_194 = arith.constant 2 : i32
          %mul3A_195 = arith.muli %mul3A_194, %add3A_182 : i32
          %add3A_196 = arith.constant 1 : i32
          %add3A_197 = arith.addi %mul3A_195, %add3A_196 : i32
          %dma_start3A_198 = arith.constant 128 : i32
          %dma_start3A_199 = arith.constant 0 : i32
          %dma_start3A_200 = tpu.memref_slice %arg8[%dma_start3A_198, %dma_start3A_199] : memref<256x64xf32, #tpu.memory_space<vmem>> -> memref<128x64xf32, #tpu.memory_space<vmem>>
          %dma_start3A_201 = arith.constant 0 : i32
          %dma_start3A_202 = tpu.memref_slice %arg6[%add3A_197, %dma_start3A_201] : memref<32x128xi32, #tpu.memory_space<vmem>> -> memref<1x128xi32, #tpu.memory_space<vmem>>
          %dma_start3A_203 = tpu.memref_squeeze %dma_start3A_202 : memref<1x128xi32, #tpu.memory_space<vmem>> -> memref<128xi32, #tpu.memory_space<vmem>>
          %dma_start3A_204 = arith.constant 0 : i32
          %dma_start3A_205 = arith.constant 0 : i32
          %dma_start3A_206 = tpu.memref_slice %arg2[%dma_start3A_204, %dma_start3A_205] : memref<1000000x64xf32, #tpu.memory_space<hbm>> -> memref<1000000x64xf32, #tpu.memory_space<hbm>>
          tpu.enqueue_indirect_dma source(%dma_start3A_206 : memref<1000000x64xf32, #tpu.memory_space<hbm>>) target(%dma_start3A_200 : memref<128x64xf32, #tpu.memory_space<vmem>>) offsets(%dma_start3A_203 : memref<128xi32, #tpu.memory_space<vmem>>) semaphore(%arg12 : memref<!tpu.dma_semaphore, #tpu.memory_space<semaphore_mem>>)
        } else {
        }
        %mul3A_131 = arith.constant 2 : i32
        %mul3A_132 = arith.muli %mul3A_131, %scan3A_83 : i32
        %add3A_133 = arith.constant 1 : i32
        %add3A_134 = arith.addi %mul3A_132, %add3A_133 : i32
        %mul3A_135 = arith.constant 2 : i32
        %mul3A_136 = arith.muli %mul3A_135, %add3A_134 : i32
        %dma_wait3A_137 = arith.constant 0 : i32
        %dma_wait3A_138 = arith.constant 0 : i32
        %dma_wait3A_139 = tpu.memref_slice %arg9[%dma_wait3A_137, %dma_wait3A_138] : memref<256x64xf32, #tpu.memory_space<vmem>> -> memref<128x64xf32, #tpu.memory_space<vmem>>
        %dma_wait3A_140 = arith.constant 0 : i32
        %dma_wait3A_141 = tpu.memref_slice %arg6[%mul3A_136, %dma_wait3A_140] : memref<32x128xi32, #tpu.memory_space<vmem>> -> memref<1x128xi32, #tpu.memory_space<vmem>>
        %dma_wait3A_142 = tpu.memref_squeeze %dma_wait3A_141 : memref<1x128xi32, #tpu.memory_space<vmem>> -> memref<128xi32, #tpu.memory_space<vmem>>
        %dma_wait3A_143 = arith.constant 0 : i32
        %dma_wait3A_144 = arith.constant 0 : i32
        %dma_wait3A_145 = tpu.memref_slice %arg2[%dma_wait3A_143, %dma_wait3A_144] : memref<1000000x64xf32, #tpu.memory_space<hbm>> -> memref<1000000x64xf32, #tpu.memory_space<hbm>>
        tpu.wait_indirect_dma semaphore(%arg13 : memref<!tpu.dma_semaphore, #tpu.memory_space<semaphore_mem>>) src(%dma_wait3A_145 : memref<1000000x64xf32, #tpu.memory_space<hbm>>) dst(%dma_wait3A_139 : memref<128x64xf32, #tpu.memory_space<vmem>>)
        %mul3A_146 = arith.constant 2 : i32
        %mul3A_147 = arith.muli %mul3A_146, %add3A_134 : i32
        %add3A_148 = arith.constant 1 : i32
        %add3A_149 = arith.addi %mul3A_147, %add3A_148 : i32
        %dma_wait3A_150 = arith.constant 128 : i32
        %dma_wait3A_151 = arith.constant 0 : i32
        %dma_wait3A_152 = tpu.memref_slice %arg9[%dma_wait3A_150, %dma_wait3A_151] : memref<256x64xf32, #tpu.memory_space<vmem>> -> memref<128x64xf32, #tpu.memory_space<vmem>>
        %dma_wait3A_153 = arith.constant 0 : i32
        %dma_wait3A_154 = tpu.memref_slice %arg6[%add3A_149, %dma_wait3A_153] : memref<32x128xi32, #tpu.memory_space<vmem>> -> memref<1x128xi32, #tpu.memory_space<vmem>>
        %dma_wait3A_155 = tpu.memref_squeeze %dma_wait3A_154 : memref<1x128xi32, #tpu.memory_space<vmem>> -> memref<128xi32, #tpu.memory_space<vmem>>
        %dma_wait3A_156 = arith.constant 0 : i32
        %dma_wait3A_157 = arith.constant 0 : i32
        %dma_wait3A_158 = tpu.memref_slice %arg2[%dma_wait3A_156, %dma_wait3A_157] : memref<1000000x64xf32, #tpu.memory_space<hbm>> -> memref<1000000x64xf32, #tpu.memory_space<hbm>>
        tpu.wait_indirect_dma semaphore(%arg13 : memref<!tpu.dma_semaphore, #tpu.memory_space<semaphore_mem>>) src(%dma_wait3A_158 : memref<1000000x64xf32, #tpu.memory_space<hbm>>) dst(%dma_wait3A_152 : memref<128x64xf32, #tpu.memory_space<vmem>>)
        %gt3A_159 = arith.constant 0 : i32
        %gt3A_160 = arith.cmpi sgt, %scan3A_83, %gt3A_159 : i32
        %convert_element_type3A_161 = arith.extui %gt3A_160 : i1 to i32
        %cond3A_162 = arith.constant 0 : i32
        %cond3A_163 = arith.cmpi ne, %convert_element_type3A_161, %cond3A_162 : i32
        scf.if %cond3A_163 {
          %sub3A = arith.constant 2 : i32
          %sub3A_181 = arith.subi %add3A_134, %sub3A : i32
          %mul3A_182 = arith.constant 2 : i32
          %mul3A_183 = arith.muli %mul3A_182, %sub3A_181 : i32
          %dma_wait3A_184 = arith.constant 0 : i32
          %dma_wait3A_185 = arith.constant 0 : i32
          %dma_wait3A_186 = arith.constant 0 : i32
          %dma_wait3A_187 = tpu.memref_slice %arg5[%add3A_15, %dma_wait3A_184, %mul3A_183, %dma_wait3A_185, %dma_wait3A_186] : memref<200x8x32x8x128xf32, #tpu.memory_space<hbm>> -> memref<1x8x2x8x128xf32, #tpu.memory_space<hbm>>
          %dma_wait3A_188 = tpu.memref_squeeze %dma_wait3A_187 : memref<1x8x2x8x128xf32, #tpu.memory_space<hbm>> -> memref<8x2x8x128xf32, #tpu.memory_space<hbm>>
          %dma_wait3A_189 = arith.constant 0 : i32
          %dma_wait3A_190 = arith.constant 0 : i32
          %dma_wait3A_191 = arith.constant 0 : i32
          %dma_wait3A_192 = tpu.memref_slice %arg5[%add3A_15, %dma_wait3A_189, %mul3A_183, %dma_wait3A_190, %dma_wait3A_191] : memref<200x8x32x8x128xf32, #tpu.memory_space<hbm>> -> memref<1x8x2x8x128xf32, #tpu.memory_space<hbm>>
          %dma_wait3A_193 = tpu.memref_squeeze %dma_wait3A_192 : memref<1x8x2x8x128xf32, #tpu.memory_space<hbm>> -> memref<8x2x8x128xf32, #tpu.memory_space<hbm>>
          tpu.wait_dma2 semaphore(%arg15 : memref<!tpu.dma_semaphore, #tpu.memory_space<semaphore_mem>>) src(%arg11 : memref<8x2x8x128xf32, #tpu.memory_space<vmem>>) dst(%dma_wait3A_193 : memref<8x2x8x128xf32, #tpu.memory_space<hbm>>)
        } else {
        }
        %mul3A_164 = arith.constant 2 : i32
        %mul3A_165 = arith.muli %mul3A_164, %add3A_134 : i32
        %dma_start3A_166 = arith.constant 0 : i32
        %dma_start3A_167 = arith.constant 0 : i32
        %dma_start3A_168 = arith.constant 0 : i32
        %dma_start3A_169 = tpu.memref_slice %arg5[%add3A_15, %dma_start3A_166, %mul3A_165, %dma_start3A_167, %dma_start3A_168] : memref<200x8x32x8x128xf32, #tpu.memory_space<hbm>> -> memref<1x8x2x8x128xf32, #tpu.memory_space<hbm>>
        %dma_start3A_170 = tpu.memref_squeeze %dma_start3A_169 : memref<1x8x2x8x128xf32, #tpu.memory_space<hbm>> -> memref<8x2x8x128xf32, #tpu.memory_space<hbm>>
        %dma_start3A_171 = arith.constant 0 : i32
        %dma_start3A_172 = arith.constant 0 : i32
        %dma_start3A_173 = arith.constant 0 : i32
        %dma_start3A_174 = tpu.memref_slice %arg5[%add3A_15, %dma_start3A_171, %mul3A_165, %dma_start3A_172, %dma_start3A_173] : memref<200x8x32x8x128xf32, #tpu.memory_space<hbm>> -> memref<1x8x2x8x128xf32, #tpu.memory_space<hbm>>
        %dma_start3A_175 = tpu.memref_squeeze %dma_start3A_174 : memref<1x8x2x8x128xf32, #tpu.memory_space<hbm>> -> memref<8x2x8x128xf32, #tpu.memory_space<hbm>>
        tpu.enqueue_dma source(%arg11 : memref<8x2x8x128xf32, #tpu.memory_space<vmem>>) target(%dma_start3A_175 : memref<8x2x8x128xf32, #tpu.memory_space<hbm>>) target_semaphore(%arg15 : memref<!tpu.dma_semaphore, #tpu.memory_space<semaphore_mem>>)
        %lt3A_176 = arith.constant 7 : i32
        %lt3A_177 = arith.cmpi slt, %scan3A_83, %lt3A_176 : i32
        %convert_element_type3A_178 = arith.extui %lt3A_177 : i1 to i32
        %cond3A_179 = arith.constant 0 : i32
        %cond3A_180 = arith.cmpi ne, %convert_element_type3A_178, %cond3A_179 : i32
        scf.if %cond3A_180 {
          %add3A_181 = arith.constant 2 : i32
          %add3A_182 = arith.addi %add3A_134, %add3A_181 : i32
          %mul3A_183 = arith.constant 2 : i32
          %mul3A_184 = arith.muli %mul3A_183, %add3A_182 : i32
          %dma_start3A_185 = arith.constant 0 : i32
          %dma_start3A_186 = arith.constant 0 : i32
          %dma_start3A_187 = tpu.memref_slice %arg9[%dma_start3A_185, %dma_start3A_186] : memref<256x64xf32, #tpu.memory_space<vmem>> -> memref<128x64xf32, #tpu.memory_space<vmem>>
          %dma_start3A_188 = arith.constant 0 : i32
          %dma_start3A_189 = tpu.memref_slice %arg6[%mul3A_184, %dma_start3A_188] : memref<32x128xi32, #tpu.memory_space<vmem>> -> memref<1x128xi32, #tpu.memory_space<vmem>>
          %dma_start3A_190 = tpu.memref_squeeze %dma_start3A_189 : memref<1x128xi32, #tpu.memory_space<vmem>> -> memref<128xi32, #tpu.memory_space<vmem>>
          %dma_start3A_191 = arith.constant 0 : i32
          %dma_start3A_192 = arith.constant 0 : i32
          %dma_start3A_193 = tpu.memref_slice %arg2[%dma_start3A_191, %dma_start3A_192] : memref<1000000x64xf32, #tpu.memory_space<hbm>> -> memref<1000000x64xf32, #tpu.memory_space<hbm>>
          tpu.enqueue_indirect_dma source(%dma_start3A_193 : memref<1000000x64xf32, #tpu.memory_space<hbm>>) target(%dma_start3A_187 : memref<128x64xf32, #tpu.memory_space<vmem>>) offsets(%dma_start3A_190 : memref<128xi32, #tpu.memory_space<vmem>>) semaphore(%arg13 : memref<!tpu.dma_semaphore, #tpu.memory_space<semaphore_mem>>)
          %mul3A_194 = arith.constant 2 : i32
          %mul3A_195 = arith.muli %mul3A_194, %add3A_182 : i32
          %add3A_196 = arith.constant 1 : i32
          %add3A_197 = arith.addi %mul3A_195, %add3A_196 : i32
          %dma_start3A_198 = arith.constant 128 : i32
          %dma_start3A_199 = arith.constant 0 : i32
          %dma_start3A_200 = tpu.memref_slice %arg9[%dma_start3A_198, %dma_start3A_199] : memref<256x64xf32, #tpu.memory_space<vmem>> -> memref<128x64xf32, #tpu.memory_space<vmem>>
          %dma_start3A_201 = arith.constant 0 : i32
          %dma_start3A_202 = tpu.memref_slice %arg6[%add3A_197, %dma_start3A_201] : memref<32x128xi32, #tpu.memory_space<vmem>> -> memref<1x128xi32, #tpu.memory_space<vmem>>
          %dma_start3A_203 = tpu.memref_squeeze %dma_start3A_202 : memref<1x128xi32, #tpu.memory_space<vmem>> -> memref<128xi32, #tpu.memory_space<vmem>>
          %dma_start3A_204 = arith.constant 0 : i32
          %dma_start3A_205 = arith.constant 0 : i32
          %dma_start3A_206 = tpu.memref_slice %arg2[%dma_start3A_204, %dma_start3A_205] : memref<1000000x64xf32, #tpu.memory_space<hbm>> -> memref<1000000x64xf32, #tpu.memory_space<hbm>>
          tpu.enqueue_indirect_dma source(%dma_start3A_206 : memref<1000000x64xf32, #tpu.memory_space<hbm>>) target(%dma_start3A_200 : memref<128x64xf32, #tpu.memory_space<vmem>>) offsets(%dma_start3A_203 : memref<128xi32, #tpu.memory_space<vmem>>) semaphore(%arg13 : memref<!tpu.dma_semaphore, #tpu.memory_space<semaphore_mem>>)
        } else {
        }
      }
      %scan3A_59 = arith.constant 8 : i32
      %dma_wait3A = arith.constant 0 : i32
      %dma_wait3A_60 = arith.constant 28 : i32
      %dma_wait3A_61 = arith.constant 0 : i32
      %dma_wait3A_62 = arith.constant 0 : i32
      %dma_wait3A_63 = tpu.memref_slice %arg5[%add3A_15, %dma_wait3A, %dma_wait3A_60, %dma_wait3A_61, %dma_wait3A_62] : memref<200x8x32x8x128xf32, #tpu.memory_space<hbm>> -> memref<1x8x2x8x128xf32, #tpu.memory_space<hbm>>
      %dma_wait3A_64 = tpu.memref_squeeze %dma_wait3A_63 : memref<1x8x2x8x128xf32, #tpu.memory_space<hbm>> -> memref<8x2x8x128xf32, #tpu.memory_space<hbm>>
      %dma_wait3A_65 = arith.constant 0 : i32
      %dma_wait3A_66 = arith.constant 28 : i32
      %dma_wait3A_67 = arith.constant 0 : i32
      %dma_wait3A_68 = arith.constant 0 : i32
      %dma_wait3A_69 = tpu.memref_slice %arg5[%add3A_15, %dma_wait3A_65, %dma_wait3A_66, %dma_wait3A_67, %dma_wait3A_68] : memref<200x8x32x8x128xf32, #tpu.memory_space<hbm>> -> memref<1x8x2x8x128xf32, #tpu.memory_space<hbm>>
      %dma_wait3A_70 = tpu.memref_squeeze %dma_wait3A_69 : memref<1x8x2x8x128xf32, #tpu.memory_space<hbm>> -> memref<8x2x8x128xf32, #tpu.memory_space<hbm>>
      tpu.wait_dma2 semaphore(%arg14 : memref<!tpu.dma_semaphore, #tpu.memory_space<semaphore_mem>>) src(%arg10 : memref<8x2x8x128xf32, #tpu.memory_space<vmem>>) dst(%dma_wait3A_70 : memref<8x2x8x128xf32, #tpu.memory_space<hbm>>)
      %dma_wait3A_71 = arith.constant 0 : i32
      %dma_wait3A_72 = arith.constant 30 : i32
      %dma_wait3A_73 = arith.constant 0 : i32
      %dma_wait3A_74 = arith.constant 0 : i32
      %dma_wait3A_75 = tpu.memref_slice %arg5[%add3A_15, %dma_wait3A_71, %dma_wait3A_72, %dma_wait3A_73, %dma_wait3A_74] : memref<200x8x32x8x128xf32, #tpu.memory_space<hbm>> -> memref<1x8x2x8x128xf32, #tpu.memory_space<hbm>>
      %dma_wait3A_76 = tpu.memref_squeeze %dma_wait3A_75 : memref<1x8x2x8x128xf32, #tpu.memory_space<hbm>> -> memref<8x2x8x128xf32, #tpu.memory_space<hbm>>
      %dma_wait3A_77 = arith.constant 0 : i32
      %dma_wait3A_78 = arith.constant 30 : i32
      %dma_wait3A_79 = arith.constant 0 : i32
      %dma_wait3A_80 = arith.constant 0 : i32
      %dma_wait3A_81 = tpu.memref_slice %arg5[%add3A_15, %dma_wait3A_77, %dma_wait3A_78, %dma_wait3A_79, %dma_wait3A_80] : memref<200x8x32x8x128xf32, #tpu.memory_space<hbm>> -> memref<1x8x2x8x128xf32, #tpu.memory_space<hbm>>
      %dma_wait3A_82 = tpu.memref_squeeze %dma_wait3A_81 : memref<1x8x2x8x128xf32, #tpu.memory_space<hbm>> -> memref<8x2x8x128xf32, #tpu.memory_space<hbm>>
      tpu.wait_dma2 semaphore(%arg15 : memref<!tpu.dma_semaphore, #tpu.memory_space<semaphore_mem>>) src(%arg11 : memref<8x2x8x128xf32, #tpu.memory_space<vmem>>) dst(%dma_wait3A_82 : memref<8x2x8x128xf32, #tpu.memory_space<hbm>>)
    }
    %while3A_11 = arith.constant 1 : i32
    scf.for %while3A_12 = %while3A_9 to %while3A_5 step %while3A_11  : i32 {
      %mul3A_13 = arith.constant 32 : i32
      %mul3A_14 = arith.muli %while3A_12, %mul3A_13 : i32
      %add3A_15 = arith.addi %mul3A_14, %add3A : i32
      "tpu.region"() ({
        %run_scoped3A = tpu.sem_alloc : memref<!tpu.dma_semaphore, #tpu.memory_space<semaphore_mem>>
        %dma_start3A_83 = arith.constant 0 : i32
        %dma_start3A_84 = arith.constant 0 : i32
        %dma_start3A_85 = tpu.memref_slice %arg3[%add3A_15, %dma_start3A_83, %dma_start3A_84] : memref<200x32x128xi32, #tpu.memory_space<hbm>> -> memref<1x32x128xi32, #tpu.memory_space<hbm>>
        %dma_start3A_86 = tpu.memref_squeeze %dma_start3A_85 : memref<1x32x128xi32, #tpu.memory_space<hbm>> -> memref<32x128xi32, #tpu.memory_space<hbm>>
        %dma_start3A_87 = arith.constant 0 : i32
        %dma_start3A_88 = arith.constant 0 : i32
        %dma_start3A_89 = tpu.memref_slice %arg3[%add3A_15, %dma_start3A_87, %dma_start3A_88] : memref<200x32x128xi32, #tpu.memory_space<hbm>> -> memref<1x32x128xi32, #tpu.memory_space<hbm>>
        %dma_start3A_90 = tpu.memref_squeeze %dma_start3A_89 : memref<1x32x128xi32, #tpu.memory_space<hbm>> -> memref<32x128xi32, #tpu.memory_space<hbm>>
        tpu.enqueue_dma source(%dma_start3A_90 : memref<32x128xi32, #tpu.memory_space<hbm>>) target(%arg6 : memref<32x128xi32, #tpu.memory_space<vmem>>) target_semaphore(%run_scoped3A : memref<!tpu.dma_semaphore, #tpu.memory_space<semaphore_mem>>)
        %dma_wait3A_91 = arith.constant 0 : i32
        %dma_wait3A_92 = arith.constant 0 : i32
        %dma_wait3A_93 = tpu.memref_slice %arg3[%add3A_15, %dma_wait3A_91, %dma_wait3A_92] : memref<200x32x128xi32, #tpu.memory_space<hbm>> -> memref<1x32x128xi32, #tpu.memory_space<hbm>>
        %dma_wait3A_94 = tpu.memref_squeeze %dma_wait3A_93 : memref<1x32x128xi32, #tpu.memory_space<hbm>> -> memref<32x128xi32, #tpu.memory_space<hbm>>
        %dma_wait3A_95 = arith.constant 0 : i32
        %dma_wait3A_96 = arith.constant 0 : i32
        %dma_wait3A_97 = tpu.memref_slice %arg3[%add3A_15, %dma_wait3A_95, %dma_wait3A_96] : memref<200x32x128xi32, #tpu.memory_space<hbm>> -> memref<1x32x128xi32, #tpu.memory_space<hbm>>
        %dma_wait3A_98 = tpu.memref_squeeze %dma_wait3A_97 : memref<1x32x128xi32, #tpu.memory_space<hbm>> -> memref<32x128xi32, #tpu.memory_space<hbm>>
        tpu.wait_dma2 semaphore(%run_scoped3A : memref<!tpu.dma_semaphore, #tpu.memory_space<semaphore_mem>>) src(%dma_wait3A_98 : memref<32x128xi32, #tpu.memory_space<hbm>>) dst(%arg6 : memref<32x128xi32, #tpu.memory_space<vmem>>)
        tpu.yield
      }) : () -> ()
      "tpu.region"() ({
        %run_scoped3A = tpu.sem_alloc : memref<!tpu.dma_semaphore, #tpu.memory_space<semaphore_mem>>
        %dma_start3A_83 = arith.constant 0 : i32
        %dma_start3A_84 = tpu.memref_slice %arg4[%add3A_15, %dma_start3A_83] : memref<200x1024xf32, #tpu.memory_space<hbm>> -> memref<1x1024xf32, #tpu.memory_space<hbm>>
        %dma_start3A_85 = tpu.memref_squeeze %dma_start3A_84 : memref<1x1024xf32, #tpu.memory_space<hbm>> -> memref<1024xf32, #tpu.memory_space<hbm>>
        %dma_start3A_86 = arith.constant 0 : i32
        %dma_start3A_87 = tpu.memref_slice %arg4[%add3A_15, %dma_start3A_86] : memref<200x1024xf32, #tpu.memory_space<hbm>> -> memref<1x1024xf32, #tpu.memory_space<hbm>>
        %dma_start3A_88 = tpu.memref_squeeze %dma_start3A_87 : memref<1x1024xf32, #tpu.memory_space<hbm>> -> memref<1024xf32, #tpu.memory_space<hbm>>
        tpu.enqueue_dma source(%dma_start3A_88 : memref<1024xf32, #tpu.memory_space<hbm>>) target(%arg7 : memref<1024xf32, #tpu.memory_space<vmem>>) target_semaphore(%run_scoped3A : memref<!tpu.dma_semaphore, #tpu.memory_space<semaphore_mem>>)
        %dma_wait3A_89 = arith.constant 0 : i32
        %dma_wait3A_90 = tpu.memref_slice %arg4[%add3A_15, %dma_wait3A_89] : memref<200x1024xf32, #tpu.memory_space<hbm>> -> memref<1x1024xf32, #tpu.memory_space<hbm>>
        %dma_wait3A_91 = tpu.memref_squeeze %dma_wait3A_90 : memref<1x1024xf32, #tpu.memory_space<hbm>> -> memref<1024xf32, #tpu.memory_space<hbm>>
        %dma_wait3A_92 = arith.constant 0 : i32
        %dma_wait3A_93 = tpu.memref_slice %arg4[%add3A_15, %dma_wait3A_92] : memref<200x1024xf32, #tpu.memory_space<hbm>> -> memref<1x1024xf32, #tpu.memory_space<hbm>>
        %dma_wait3A_94 = tpu.memref_squeeze %dma_wait3A_93 : memref<1x1024xf32, #tpu.memory_space<hbm>> -> memref<1024xf32, #tpu.memory_space<hbm>>
        tpu.wait_dma2 semaphore(%run_scoped3A : memref<!tpu.dma_semaphore, #tpu.memory_space<semaphore_mem>>) src(%dma_wait3A_94 : memref<1024xf32, #tpu.memory_space<hbm>>) dst(%arg7 : memref<1024xf32, #tpu.memory_space<vmem>>)
        tpu.yield
      }) : () -> ()
      %dma_start3A = arith.constant 0 : i32
      %dma_start3A_16 = arith.constant 0 : i32
      %dma_start3A_17 = arith.constant 0 : i32
      %dma_start3A_18 = tpu.memref_slice %arg8[%dma_start3A_16, %dma_start3A_17] : memref<256x64xf32, #tpu.memory_space<vmem>> -> memref<128x64xf32, #tpu.memory_space<vmem>>
      %dma_start3A_19 = arith.constant 0 : i32
      %dma_start3A_20 = tpu.memref_slice %arg6[%dma_start3A, %dma_start3A_19] : memref<32x128xi32, #tpu.memory_space<vmem>> -> memref<1x128xi32, #tpu.memory_space<vmem>>
      %dma_start3A_21 = tpu.memref_squeeze %dma_start3A_20 : memref<1x128xi32, #tpu.memory_space<vmem>> -> memref<128xi32, #tpu.memory_space<vmem>>
      %dma_start3A_22 = arith.constant 0 : i32
      %dma_start3A_23 = arith.constant 0 : i32
      %dma_start3A_24 = tpu.memref_slice %arg2[%dma_start3A_22, %dma_start3A_23] : memref<1000000x64xf32, #tpu.memory_space<hbm>> -> memref<1000000x64xf32, #tpu.memory_space<hbm>>
      tpu.enqueue_indirect_dma source(%dma_start3A_24 : memref<1000000x64xf32, #tpu.memory_space<hbm>>) target(%dma_start3A_18 : memref<128x64xf32, #tpu.memory_space<vmem>>) offsets(%dma_start3A_21 : memref<128xi32, #tpu.memory_space<vmem>>) semaphore(%arg12 : memref<!tpu.dma_semaphore, #tpu.memory_space<semaphore_mem>>)
      %dma_start3A_25 = arith.constant 1 : i32
      %dma_start3A_26 = arith.constant 128 : i32
      %dma_start3A_27 = arith.constant 0 : i32
      %dma_start3A_28 = tpu.memref_slice %arg8[%dma_start3A_26, %dma_start3A_27] : memref<256x64xf32, #tpu.memory_space<vmem>> -> memref<128x64xf32, #tpu.memory_space<vmem>>
      %dma_start3A_29 = arith.constant 0 : i32
      %dma_start3A_30 = tpu.memref_slice %arg6[%dma_start3A_25, %dma_start3A_29] : memref<32x128xi32, #tpu.memory_space<vmem>> -> memref<1x128xi32, #tpu.memory_space<vmem>>
      %dma_start3A_31 = tpu.memref_squeeze %dma_start3A_30 : memref<1x128xi32, #tpu.memory_space<vmem>> -> memref<128xi32, #tpu.memory_space<vmem>>
      %dma_start3A_32 = arith.constant 0 : i32
      %dma_start3A_33 = arith.constant 0 : i32
      %dma_start3A_34 = tpu.memref_slice %arg2[%dma_start3A_32, %dma_start3A_33] : memref<1000000x64xf32, #tpu.memory_space<hbm>> -> memref<1000000x64xf32, #tpu.memory_space<hbm>>
      tpu.enqueue_indirect_dma source(%dma_start3A_34 : memref<1000000x64xf32, #tpu.memory_space<hbm>>) target(%dma_start3A_28 : memref<128x64xf32, #tpu.memory_space<vmem>>) offsets(%dma_start3A_31 : memref<128xi32, #tpu.memory_space<vmem>>) semaphore(%arg12 : memref<!tpu.dma_semaphore, #tpu.memory_space<semaphore_mem>>)
      %dma_start3A_35 = arith.constant 2 : i32
      %dma_start3A_36 = arith.constant 0 : i32
      %dma_start3A_37 = arith.constant 0 : i32
      %dma_start3A_38 = tpu.memref_slice %arg9[%dma_start3A_36, %dma_start3A_37] : memref<256x64xf32, #tpu.memory_space<vmem>> -> memref<128x64xf32, #tpu.memory_space<vmem>>
      %dma_start3A_39 = arith.constant 0 : i32
      %dma_start3A_40 = tpu.memref_slice %arg6[%dma_start3A_35, %dma_start3A_39] : memref<32x128xi32, #tpu.memory_space<vmem>> -> memref<1x128xi32, #tpu.memory_space<vmem>>
      %dma_start3A_41 = tpu.memref_squeeze %dma_start3A_40 : memref<1x128xi32, #tpu.memory_space<vmem>> -> memref<128xi32, #tpu.memory_space<vmem>>
      %dma_start3A_42 = arith.constant 0 : i32
      %dma_start3A_43 = arith.constant 0 : i32
      %dma_start3A_44 = tpu.memref_slice %arg2[%dma_start3A_42, %dma_start3A_43] : memref<1000000x64xf32, #tpu.memory_space<hbm>> -> memref<1000000x64xf32, #tpu.memory_space<hbm>>
      tpu.enqueue_indirect_dma source(%dma_start3A_44 : memref<1000000x64xf32, #tpu.memory_space<hbm>>) target(%dma_start3A_38 : memref<128x64xf32, #tpu.memory_space<vmem>>) offsets(%dma_start3A_41 : memref<128xi32, #tpu.memory_space<vmem>>) semaphore(%arg13 : memref<!tpu.dma_semaphore, #tpu.memory_space<semaphore_mem>>)
      %dma_start3A_45 = arith.constant 3 : i32
      %dma_start3A_46 = arith.constant 128 : i32
      %dma_start3A_47 = arith.constant 0 : i32
      %dma_start3A_48 = tpu.memref_slice %arg9[%dma_start3A_46, %dma_start3A_47] : memref<256x64xf32, #tpu.memory_space<vmem>> -> memref<128x64xf32, #tpu.memory_space<vmem>>
      %dma_start3A_49 = arith.constant 0 : i32
      %dma_start3A_50 = tpu.memref_slice %arg6[%dma_start3A_45, %dma_start3A_49] : memref<32x128xi32, #tpu.memory_space<vmem>> -> memref<1x128xi32, #tpu.memory_space<vmem>>
      %dma_start3A_51 = tpu.memref_squeeze %dma_start3A_50 : memref<1x128xi32, #tpu.memory_space<vmem>> -> memref<128xi32, #tpu.memory_space<vmem>>
      %dma_start3A_52 = arith.constant 0 : i32
      %dma_start3A_53 = arith.constant 0 : i32
      %dma_start3A_54 = tpu.memref_slice %arg2[%dma_start3A_52, %dma_start3A_53] : memref<1000000x64xf32, #tpu.memory_space<hbm>> -> memref<1000000x64xf32, #tpu.memory_space<hbm>>
      tpu.enqueue_indirect_dma source(%dma_start3A_54 : memref<1000000x64xf32, #tpu.memory_space<hbm>>) target(%dma_start3A_48 : memref<128x64xf32, #tpu.memory_space<vmem>>) offsets(%dma_start3A_51 : memref<128xi32, #tpu.memory_space<vmem>>) semaphore(%arg13 : memref<!tpu.dma_semaphore, #tpu.memory_space<semaphore_mem>>)
      %scan3A = arith.constant 0 : i32
      %scan3A_55 = arith.constant 0 : i32
      %scan3A_56 = arith.constant 8 : i32
      %scan3A_57 = arith.addi %scan3A_55, %scan3A_56 : i32
      %scan3A_58 = arith.constant 1 : i32
      scf.for %scan3A_83 = %scan3A_55 to %scan3A_57 step %scan3A_58  : i32 {
        %mul3A_84 = arith.constant 2 : i32
        %mul3A_85 = arith.muli %mul3A_84, %scan3A_83 : i32
        %add3A_86 = arith.constant 0 : i32
        %add3A_87 = arith.addi %mul3A_85, %add3A_86 : i32
        %mul3A_88 = arith.constant 2 : i32
        %mul3A_89 = arith.muli %mul3A_88, %add3A_87 : i32
        %dma_wait3A_90 = arith.constant 0 : i32
        %dma_wait3A_91 = arith.constant 0 : i32
        %dma_wait3A_92 = tpu.memref_slice %arg8[%dma_wait3A_90, %dma_wait3A_91] : memref<256x64xf32, #tpu.memory_space<vmem>> -> memref<128x64xf32, #tpu.memory_space<vmem>>
        %dma_wait3A_93 = arith.constant 0 : i32
        %dma_wait3A_94 = tpu.memref_slice %arg6[%mul3A_89, %dma_wait3A_93] : memref<32x128xi32, #tpu.memory_space<vmem>> -> memref<1x128xi32, #tpu.memory_space<vmem>>
        %dma_wait3A_95 = tpu.memref_squeeze %dma_wait3A_94 : memref<1x128xi32, #tpu.memory_space<vmem>> -> memref<128xi32, #tpu.memory_space<vmem>>
        %dma_wait3A_96 = arith.constant 0 : i32
        %dma_wait3A_97 = arith.constant 0 : i32
        %dma_wait3A_98 = tpu.memref_slice %arg2[%dma_wait3A_96, %dma_wait3A_97] : memref<1000000x64xf32, #tpu.memory_space<hbm>> -> memref<1000000x64xf32, #tpu.memory_space<hbm>>
        tpu.wait_indirect_dma semaphore(%arg12 : memref<!tpu.dma_semaphore, #tpu.memory_space<semaphore_mem>>) src(%dma_wait3A_98 : memref<1000000x64xf32, #tpu.memory_space<hbm>>) dst(%dma_wait3A_92 : memref<128x64xf32, #tpu.memory_space<vmem>>)
        %mul3A_99 = arith.constant 2 : i32
        %mul3A_100 = arith.muli %mul3A_99, %add3A_87 : i32
        %add3A_101 = arith.constant 1 : i32
        %add3A_102 = arith.addi %mul3A_100, %add3A_101 : i32
        %dma_wait3A_103 = arith.constant 128 : i32
        %dma_wait3A_104 = arith.constant 0 : i32
        %dma_wait3A_105 = tpu.memref_slice %arg8[%dma_wait3A_103, %dma_wait3A_104] : memref<256x64xf32, #tpu.memory_space<vmem>> -> memref<128x64xf32, #tpu.memory_space<vmem>>
        %dma_wait3A_106 = arith.constant 0 : i32
        %dma_wait3A_107 = tpu.memref_slice %arg6[%add3A_102, %dma_wait3A_106] : memref<32x128xi32, #tpu.memory_space<vmem>> -> memref<1x128xi32, #tpu.memory_space<vmem>>
        %dma_wait3A_108 = tpu.memref_squeeze %dma_wait3A_107 : memref<1x128xi32, #tpu.memory_space<vmem>> -> memref<128xi32, #tpu.memory_space<vmem>>
        %dma_wait3A_109 = arith.constant 0 : i32
        %dma_wait3A_110 = arith.constant 0 : i32
        %dma_wait3A_111 = tpu.memref_slice %arg2[%dma_wait3A_109, %dma_wait3A_110] : memref<1000000x64xf32, #tpu.memory_space<hbm>> -> memref<1000000x64xf32, #tpu.memory_space<hbm>>
        tpu.wait_indirect_dma semaphore(%arg12 : memref<!tpu.dma_semaphore, #tpu.memory_space<semaphore_mem>>) src(%dma_wait3A_111 : memref<1000000x64xf32, #tpu.memory_space<hbm>>) dst(%dma_wait3A_105 : memref<128x64xf32, #tpu.memory_space<vmem>>)
        %gt3A = arith.constant 0 : i32
        %gt3A_112 = arith.cmpi sgt, %scan3A_83, %gt3A : i32
        %convert_element_type3A = arith.extui %gt3A_112 : i1 to i32
        %cond3A = arith.constant 0 : i32
        %cond3A_113 = arith.cmpi ne, %convert_element_type3A, %cond3A : i32
        scf.if %cond3A_113 {
          %sub3A = arith.constant 2 : i32
          %sub3A_181 = arith.subi %add3A_87, %sub3A : i32
          %mul3A_182 = arith.constant 2 : i32
          %mul3A_183 = arith.muli %mul3A_182, %sub3A_181 : i32
          %dma_wait3A_184 = arith.constant 0 : i32
          %dma_wait3A_185 = arith.constant 0 : i32
          %dma_wait3A_186 = arith.constant 0 : i32
          %dma_wait3A_187 = tpu.memref_slice %arg5[%add3A_15, %dma_wait3A_184, %mul3A_183, %dma_wait3A_185, %dma_wait3A_186] : memref<200x8x32x8x128xf32, #tpu.memory_space<hbm>> -> memref<1x8x2x8x128xf32, #tpu.memory_space<hbm>>
          %dma_wait3A_188 = tpu.memref_squeeze %dma_wait3A_187 : memref<1x8x2x8x128xf32, #tpu.memory_space<hbm>> -> memref<8x2x8x128xf32, #tpu.memory_space<hbm>>
          %dma_wait3A_189 = arith.constant 0 : i32
          %dma_wait3A_190 = arith.constant 0 : i32
          %dma_wait3A_191 = arith.constant 0 : i32
          %dma_wait3A_192 = tpu.memref_slice %arg5[%add3A_15, %dma_wait3A_189, %mul3A_183, %dma_wait3A_190, %dma_wait3A_191] : memref<200x8x32x8x128xf32, #tpu.memory_space<hbm>> -> memref<1x8x2x8x128xf32, #tpu.memory_space<hbm>>
          %dma_wait3A_193 = tpu.memref_squeeze %dma_wait3A_192 : memref<1x8x2x8x128xf32, #tpu.memory_space<hbm>> -> memref<8x2x8x128xf32, #tpu.memory_space<hbm>>
          tpu.wait_dma2 semaphore(%arg14 : memref<!tpu.dma_semaphore, #tpu.memory_space<semaphore_mem>>) src(%arg10 : memref<8x2x8x128xf32, #tpu.memory_space<vmem>>) dst(%dma_wait3A_193 : memref<8x2x8x128xf32, #tpu.memory_space<hbm>>)
        } else {
        }
        %mul3A_114 = arith.constant 2 : i32
        %mul3A_115 = arith.muli %mul3A_114, %add3A_87 : i32
        %dma_start3A_116 = arith.constant 0 : i32
        %dma_start3A_117 = arith.constant 0 : i32
        %dma_start3A_118 = arith.constant 0 : i32
        %dma_start3A_119 = tpu.memref_slice %arg5[%add3A_15, %dma_start3A_116, %mul3A_115, %dma_start3A_117, %dma_start3A_118] : memref<200x8x32x8x128xf32, #tpu.memory_space<hbm>> -> memref<1x8x2x8x128xf32, #tpu.memory_space<hbm>>
        %dma_start3A_120 = tpu.memref_squeeze %dma_start3A_119 : memref<1x8x2x8x128xf32, #tpu.memory_space<hbm>> -> memref<8x2x8x128xf32, #tpu.memory_space<hbm>>
        %dma_start3A_121 = arith.constant 0 : i32
        %dma_start3A_122 = arith.constant 0 : i32
        %dma_start3A_123 = arith.constant 0 : i32
        %dma_start3A_124 = tpu.memref_slice %arg5[%add3A_15, %dma_start3A_121, %mul3A_115, %dma_start3A_122, %dma_start3A_123] : memref<200x8x32x8x128xf32, #tpu.memory_space<hbm>> -> memref<1x8x2x8x128xf32, #tpu.memory_space<hbm>>
        %dma_start3A_125 = tpu.memref_squeeze %dma_start3A_124 : memref<1x8x2x8x128xf32, #tpu.memory_space<hbm>> -> memref<8x2x8x128xf32, #tpu.memory_space<hbm>>
        tpu.enqueue_dma source(%arg10 : memref<8x2x8x128xf32, #tpu.memory_space<vmem>>) target(%dma_start3A_125 : memref<8x2x8x128xf32, #tpu.memory_space<hbm>>) target_semaphore(%arg14 : memref<!tpu.dma_semaphore, #tpu.memory_space<semaphore_mem>>)
        %lt3A_126 = arith.constant 7 : i32
        %lt3A_127 = arith.cmpi slt, %scan3A_83, %lt3A_126 : i32
        %convert_element_type3A_128 = arith.extui %lt3A_127 : i1 to i32
        %cond3A_129 = arith.constant 0 : i32
        %cond3A_130 = arith.cmpi ne, %convert_element_type3A_128, %cond3A_129 : i32
        scf.if %cond3A_130 {
          %add3A_181 = arith.constant 2 : i32
          %add3A_182 = arith.addi %add3A_87, %add3A_181 : i32
          %mul3A_183 = arith.constant 2 : i32
          %mul3A_184 = arith.muli %mul3A_183, %add3A_182 : i32
          %dma_start3A_185 = arith.constant 0 : i32
          %dma_start3A_186 = arith.constant 0 : i32
          %dma_start3A_187 = tpu.memref_slice %arg8[%dma_start3A_185, %dma_start3A_186] : memref<256x64xf32, #tpu.memory_space<vmem>> -> memref<128x64xf32, #tpu.memory_space<vmem>>
          %dma_start3A_188 = arith.constant 0 : i32
          %dma_start3A_189 = tpu.memref_slice %arg6[%mul3A_184, %dma_start3A_188] : memref<32x128xi32, #tpu.memory_space<vmem>> -> memref<1x128xi32, #tpu.memory_space<vmem>>
          %dma_start3A_190 = tpu.memref_squeeze %dma_start3A_189 : memref<1x128xi32, #tpu.memory_space<vmem>> -> memref<128xi32, #tpu.memory_space<vmem>>
          %dma_start3A_191 = arith.constant 0 : i32
          %dma_start3A_192 = arith.constant 0 : i32
          %dma_start3A_193 = tpu.memref_slice %arg2[%dma_start3A_191, %dma_start3A_192] : memref<1000000x64xf32, #tpu.memory_space<hbm>> -> memref<1000000x64xf32, #tpu.memory_space<hbm>>
          tpu.enqueue_indirect_dma source(%dma_start3A_193 : memref<1000000x64xf32, #tpu.memory_space<hbm>>) target(%dma_start3A_187 : memref<128x64xf32, #tpu.memory_space<vmem>>) offsets(%dma_start3A_190 : memref<128xi32, #tpu.memory_space<vmem>>) semaphore(%arg12 : memref<!tpu.dma_semaphore, #tpu.memory_space<semaphore_mem>>)
          %mul3A_194 = arith.constant 2 : i32
          %mul3A_195 = arith.muli %mul3A_194, %add3A_182 : i32
          %add3A_196 = arith.constant 1 : i32
          %add3A_197 = arith.addi %mul3A_195, %add3A_196 : i32
          %dma_start3A_198 = arith.constant 128 : i32
          %dma_start3A_199 = arith.constant 0 : i32
          %dma_start3A_200 = tpu.memref_slice %arg8[%dma_start3A_198, %dma_start3A_199] : memref<256x64xf32, #tpu.memory_space<vmem>> -> memref<128x64xf32, #tpu.memory_space<vmem>>
          %dma_start3A_201 = arith.constant 0 : i32
          %dma_start3A_202 = tpu.memref_slice %arg6[%add3A_197, %dma_start3A_201] : memref<32x128xi32, #tpu.memory_space<vmem>> -> memref<1x128xi32, #tpu.memory_space<vmem>>
          %dma_start3A_203 = tpu.memref_squeeze %dma_start3A_202 : memref<1x128xi32, #tpu.memory_space<vmem>> -> memref<128xi32, #tpu.memory_space<vmem>>
          %dma_start3A_204 = arith.constant 0 : i32
          %dma_start3A_205 = arith.constant 0 : i32
          %dma_start3A_206 = tpu.memref_slice %arg2[%dma_start3A_204, %dma_start3A_205] : memref<1000000x64xf32, #tpu.memory_space<hbm>> -> memref<1000000x64xf32, #tpu.memory_space<hbm>>
          tpu.enqueue_indirect_dma source(%dma_start3A_206 : memref<1000000x64xf32, #tpu.memory_space<hbm>>) target(%dma_start3A_200 : memref<128x64xf32, #tpu.memory_space<vmem>>) offsets(%dma_start3A_203 : memref<128xi32, #tpu.memory_space<vmem>>) semaphore(%arg12 : memref<!tpu.dma_semaphore, #tpu.memory_space<semaphore_mem>>)
        } else {
        }
        %mul3A_131 = arith.constant 2 : i32
        %mul3A_132 = arith.muli %mul3A_131, %scan3A_83 : i32
        %add3A_133 = arith.constant 1 : i32
        %add3A_134 = arith.addi %mul3A_132, %add3A_133 : i32
        %mul3A_135 = arith.constant 2 : i32
        %mul3A_136 = arith.muli %mul3A_135, %add3A_134 : i32
        %dma_wait3A_137 = arith.constant 0 : i32
        %dma_wait3A_138 = arith.constant 0 : i32
        %dma_wait3A_139 = tpu.memref_slice %arg9[%dma_wait3A_137, %dma_wait3A_138] : memref<256x64xf32, #tpu.memory_space<vmem>> -> memref<128x64xf32, #tpu.memory_space<vmem>>
        %dma_wait3A_140 = arith.constant 0 : i32
        %dma_wait3A_141 = tpu.memref_slice %arg6[%mul3A_136, %dma_wait3A_140] : memref<32x128xi32, #tpu.memory_space<vmem>> -> memref<1x128xi32, #tpu.memory_space<vmem>>
        %dma_wait3A_142 = tpu.memref_squeeze %dma_wait3A_141 : memref<1x128xi32, #tpu.memory_space<vmem>> -> memref<128xi32, #tpu.memory_space<vmem>>
        %dma_wait3A_143 = arith.constant 0 : i32
        %dma_wait3A_144 = arith.constant 0 : i32
        %dma_wait3A_145 = tpu.memref_slice %arg2[%dma_wait3A_143, %dma_wait3A_144] : memref<1000000x64xf32, #tpu.memory_space<hbm>> -> memref<1000000x64xf32, #tpu.memory_space<hbm>>
        tpu.wait_indirect_dma semaphore(%arg13 : memref<!tpu.dma_semaphore, #tpu.memory_space<semaphore_mem>>) src(%dma_wait3A_145 : memref<1000000x64xf32, #tpu.memory_space<hbm>>) dst(%dma_wait3A_139 : memref<128x64xf32, #tpu.memory_space<vmem>>)
        %mul3A_146 = arith.constant 2 : i32
        %mul3A_147 = arith.muli %mul3A_146, %add3A_134 : i32
        %add3A_148 = arith.constant 1 : i32
        %add3A_149 = arith.addi %mul3A_147, %add3A_148 : i32
        %dma_wait3A_150 = arith.constant 128 : i32
        %dma_wait3A_151 = arith.constant 0 : i32
        %dma_wait3A_152 = tpu.memref_slice %arg9[%dma_wait3A_150, %dma_wait3A_151] : memref<256x64xf32, #tpu.memory_space<vmem>> -> memref<128x64xf32, #tpu.memory_space<vmem>>
        %dma_wait3A_153 = arith.constant 0 : i32
        %dma_wait3A_154 = tpu.memref_slice %arg6[%add3A_149, %dma_wait3A_153] : memref<32x128xi32, #tpu.memory_space<vmem>> -> memref<1x128xi32, #tpu.memory_space<vmem>>
        %dma_wait3A_155 = tpu.memref_squeeze %dma_wait3A_154 : memref<1x128xi32, #tpu.memory_space<vmem>> -> memref<128xi32, #tpu.memory_space<vmem>>
        %dma_wait3A_156 = arith.constant 0 : i32
        %dma_wait3A_157 = arith.constant 0 : i32
        %dma_wait3A_158 = tpu.memref_slice %arg2[%dma_wait3A_156, %dma_wait3A_157] : memref<1000000x64xf32, #tpu.memory_space<hbm>> -> memref<1000000x64xf32, #tpu.memory_space<hbm>>
        tpu.wait_indirect_dma semaphore(%arg13 : memref<!tpu.dma_semaphore, #tpu.memory_space<semaphore_mem>>) src(%dma_wait3A_158 : memref<1000000x64xf32, #tpu.memory_space<hbm>>) dst(%dma_wait3A_152 : memref<128x64xf32, #tpu.memory_space<vmem>>)
        %gt3A_159 = arith.constant 0 : i32
        %gt3A_160 = arith.cmpi sgt, %scan3A_83, %gt3A_159 : i32
        %convert_element_type3A_161 = arith.extui %gt3A_160 : i1 to i32
        %cond3A_162 = arith.constant 0 : i32
        %cond3A_163 = arith.cmpi ne, %convert_element_type3A_161, %cond3A_162 : i32
        scf.if %cond3A_163 {
          %sub3A = arith.constant 2 : i32
          %sub3A_181 = arith.subi %add3A_134, %sub3A : i32
          %mul3A_182 = arith.constant 2 : i32
          %mul3A_183 = arith.muli %mul3A_182, %sub3A_181 : i32
          %dma_wait3A_184 = arith.constant 0 : i32
          %dma_wait3A_185 = arith.constant 0 : i32
          %dma_wait3A_186 = arith.constant 0 : i32
          %dma_wait3A_187 = tpu.memref_slice %arg5[%add3A_15, %dma_wait3A_184, %mul3A_183, %dma_wait3A_185, %dma_wait3A_186] : memref<200x8x32x8x128xf32, #tpu.memory_space<hbm>> -> memref<1x8x2x8x128xf32, #tpu.memory_space<hbm>>
          %dma_wait3A_188 = tpu.memref_squeeze %dma_wait3A_187 : memref<1x8x2x8x128xf32, #tpu.memory_space<hbm>> -> memref<8x2x8x128xf32, #tpu.memory_space<hbm>>
          %dma_wait3A_189 = arith.constant 0 : i32
          %dma_wait3A_190 = arith.constant 0 : i32
          %dma_wait3A_191 = arith.constant 0 : i32
          %dma_wait3A_192 = tpu.memref_slice %arg5[%add3A_15, %dma_wait3A_189, %mul3A_183, %dma_wait3A_190, %dma_wait3A_191] : memref<200x8x32x8x128xf32, #tpu.memory_space<hbm>> -> memref<1x8x2x8x128xf32, #tpu.memory_space<hbm>>
          %dma_wait3A_193 = tpu.memref_squeeze %dma_wait3A_192 : memref<1x8x2x8x128xf32, #tpu.memory_space<hbm>> -> memref<8x2x8x128xf32, #tpu.memory_space<hbm>>
          tpu.wait_dma2 semaphore(%arg15 : memref<!tpu.dma_semaphore, #tpu.memory_space<semaphore_mem>>) src(%arg11 : memref<8x2x8x128xf32, #tpu.memory_space<vmem>>) dst(%dma_wait3A_193 : memref<8x2x8x128xf32, #tpu.memory_space<hbm>>)
        } else {
        }
        %mul3A_164 = arith.constant 2 : i32
        %mul3A_165 = arith.muli %mul3A_164, %add3A_134 : i32
        %dma_start3A_166 = arith.constant 0 : i32
        %dma_start3A_167 = arith.constant 0 : i32
        %dma_start3A_168 = arith.constant 0 : i32
        %dma_start3A_169 = tpu.memref_slice %arg5[%add3A_15, %dma_start3A_166, %mul3A_165, %dma_start3A_167, %dma_start3A_168] : memref<200x8x32x8x128xf32, #tpu.memory_space<hbm>> -> memref<1x8x2x8x128xf32, #tpu.memory_space<hbm>>
        %dma_start3A_170 = tpu.memref_squeeze %dma_start3A_169 : memref<1x8x2x8x128xf32, #tpu.memory_space<hbm>> -> memref<8x2x8x128xf32, #tpu.memory_space<hbm>>
        %dma_start3A_171 = arith.constant 0 : i32
        %dma_start3A_172 = arith.constant 0 : i32
        %dma_start3A_173 = arith.constant 0 : i32
        %dma_start3A_174 = tpu.memref_slice %arg5[%add3A_15, %dma_start3A_171, %mul3A_165, %dma_start3A_172, %dma_start3A_173] : memref<200x8x32x8x128xf32, #tpu.memory_space<hbm>> -> memref<1x8x2x8x128xf32, #tpu.memory_space<hbm>>
        %dma_start3A_175 = tpu.memref_squeeze %dma_start3A_174 : memref<1x8x2x8x128xf32, #tpu.memory_space<hbm>> -> memref<8x2x8x128xf32, #tpu.memory_space<hbm>>
        tpu.enqueue_dma source(%arg11 : memref<8x2x8x128xf32, #tpu.memory_space<vmem>>) target(%dma_start3A_175 : memref<8x2x8x128xf32, #tpu.memory_space<hbm>>) target_semaphore(%arg15 : memref<!tpu.dma_semaphore, #tpu.memory_space<semaphore_mem>>)
        %lt3A_176 = arith.constant 7 : i32
        %lt3A_177 = arith.cmpi slt, %scan3A_83, %lt3A_176 : i32
        %convert_element_type3A_178 = arith.extui %lt3A_177 : i1 to i32
        %cond3A_179 = arith.constant 0 : i32
        %cond3A_180 = arith.cmpi ne, %convert_element_type3A_178, %cond3A_179 : i32
        scf.if %cond3A_180 {
          %add3A_181 = arith.constant 2 : i32
          %add3A_182 = arith.addi %add3A_134, %add3A_181 : i32
          %mul3A_183 = arith.constant 2 : i32
          %mul3A_184 = arith.muli %mul3A_183, %add3A_182 : i32
          %dma_start3A_185 = arith.constant 0 : i32
          %dma_start3A_186 = arith.constant 0 : i32
          %dma_start3A_187 = tpu.memref_slice %arg9[%dma_start3A_185, %dma_start3A_186] : memref<256x64xf32, #tpu.memory_space<vmem>> -> memref<128x64xf32, #tpu.memory_space<vmem>>
          %dma_start3A_188 = arith.constant 0 : i32
          %dma_start3A_189 = tpu.memref_slice %arg6[%mul3A_184, %dma_start3A_188] : memref<32x128xi32, #tpu.memory_space<vmem>> -> memref<1x128xi32, #tpu.memory_space<vmem>>
          %dma_start3A_190 = tpu.memref_squeeze %dma_start3A_189 : memref<1x128xi32, #tpu.memory_space<vmem>> -> memref<128xi32, #tpu.memory_space<vmem>>
          %dma_start3A_191 = arith.constant 0 : i32
          %dma_start3A_192 = arith.constant 0 : i32
          %dma_start3A_193 = tpu.memref_slice %arg2[%dma_start3A_191, %dma_start3A_192] : memref<1000000x64xf32, #tpu.memory_space<hbm>> -> memref<1000000x64xf32, #tpu.memory_space<hbm>>
          tpu.enqueue_indirect_dma source(%dma_start3A_193 : memref<1000000x64xf32, #tpu.memory_space<hbm>>) target(%dma_start3A_187 : memref<128x64xf32, #tpu.memory_space<vmem>>) offsets(%dma_start3A_190 : memref<128xi32, #tpu.memory_space<vmem>>) semaphore(%arg13 : memref<!tpu.dma_semaphore, #tpu.memory_space<semaphore_mem>>)
          %mul3A_194 = arith.constant 2 : i32
          %mul3A_195 = arith.muli %mul3A_194, %add3A_182 : i32
          %add3A_196 = arith.constant 1 : i32
          %add3A_197 = arith.addi %mul3A_195, %add3A_196 : i32
          %dma_start3A_198 = arith.constant 128 : i32
          %dma_start3A_199 = arith.constant 0 : i32
          %dma_start3A_200 = tpu.memref_slice %arg9[%dma_start3A_198, %dma_start3A_199] : memref<256x64xf32, #tpu.memory_space<vmem>> -> memref<128x64xf32, #tpu.memory_space<vmem>>
          %dma_start3A_201 = arith.constant 0 : i32
          %dma_start3A_202 = tpu.memref_slice %arg6[%add3A_197, %dma_start3A_201] : memref<32x128xi32, #tpu.memory_space<vmem>> -> memref<1x128xi32, #tpu.memory_space<vmem>>
          %dma_start3A_203 = tpu.memref_squeeze %dma_start3A_202 : memref<1x128xi32, #tpu.memory_space<vmem>> -> memref<128xi32, #tpu.memory_space<vmem>>
          %dma_start3A_204 = arith.constant 0 : i32
          %dma_start3A_205 = arith.constant 0 : i32
          %dma_start3A_206 = tpu.memref_slice %arg2[%dma_start3A_204, %dma_start3A_205] : memref<1000000x64xf32, #tpu.memory_space<hbm>> -> memref<1000000x64xf32, #tpu.memory_space<hbm>>
          tpu.enqueue_indirect_dma source(%dma_start3A_206 : memref<1000000x64xf32, #tpu.memory_space<hbm>>) target(%dma_start3A_200 : memref<128x64xf32, #tpu.memory_space<vmem>>) offsets(%dma_start3A_203 : memref<128xi32, #tpu.memory_space<vmem>>) semaphore(%arg13 : memref<!tpu.dma_semaphore, #tpu.memory_space<semaphore_mem>>)
        } else {
        }
      }
      %scan3A_59 = arith.constant 8 : i32
      %dma_wait3A = arith.constant 0 : i32
      %dma_wait3A_60 = arith.constant 28 : i32
      %dma_wait3A_61 = arith.constant 0 : i32
      %dma_wait3A_62 = arith.constant 0 : i32
      %dma_wait3A_63 = tpu.memref_slice %arg5[%add3A_15, %dma_wait3A, %dma_wait3A_60, %dma_wait3A_61, %dma_wait3A_62] : memref<200x8x32x8x128xf32, #tpu.memory_space<hbm>> -> memref<1x8x2x8x128xf32, #tpu.memory_space<hbm>>
      %dma_wait3A_64 = tpu.memref_squeeze %dma_wait3A_63 : memref<1x8x2x8x128xf32, #tpu.memory_space<hbm>> -> memref<8x2x8x128xf32, #tpu.memory_space<hbm>>
      %dma_wait3A_65 = arith.constant 0 : i32
      %dma_wait3A_66 = arith.constant 28 : i32
      %dma_wait3A_67 = arith.constant 0 : i32
      %dma_wait3A_68 = arith.constant 0 : i32
      %dma_wait3A_69 = tpu.memref_slice %arg5[%add3A_15, %dma_wait3A_65, %dma_wait3A_66, %dma_wait3A_67, %dma_wait3A_68] : memref<200x8x32x8x128xf32, #tpu.memory_space<hbm>> -> memref<1x8x2x8x128xf32, #tpu.memory_space<hbm>>
      %dma_wait3A_70 = tpu.memref_squeeze %dma_wait3A_69 : memref<1x8x2x8x128xf32, #tpu.memory_space<hbm>> -> memref<8x2x8x128xf32, #tpu.memory_space<hbm>>
      tpu.wait_dma2 semaphore(%arg14 : memref<!tpu.dma_semaphore, #tpu.memory_space<semaphore_mem>>) src(%arg10 : memref<8x2x8x128xf32, #tpu.memory_space<vmem>>) dst(%dma_wait3A_70 : memref<8x2x8x128xf32, #tpu.memory_space<hbm>>)
      %dma_wait3A_71 = arith.constant 0 : i32
      %dma_wait3A_72 = arith.constant 30 : i32
      %dma_wait3A_73 = arith.constant 0 : i32
      %dma_wait3A_74 = arith.constant 0 : i32
      %dma_wait3A_75 = tpu.memref_slice %arg5[%add3A_15, %dma_wait3A_71, %dma_wait3A_72, %dma_wait3A_73, %dma_wait3A_74] : memref<200x8x32x8x128xf32, #tpu.memory_space<hbm>> -> memref<1x8x2x8x128xf32, #tpu.memory_space<hbm>>
      %dma_wait3A_76 = tpu.memref_squeeze %dma_wait3A_75 : memref<1x8x2x8x128xf32, #tpu.memory_space<hbm>> -> memref<8x2x8x128xf32, #tpu.memory_space<hbm>>
      %dma_wait3A_77 = arith.constant 0 : i32
      %dma_wait3A_78 = arith.constant 30 : i32
      %dma_wait3A_79 = arith.constant 0 : i32
      %dma_wait3A_80 = arith.constant 0 : i32
      %dma_wait3A_81 = tpu.memref_slice %arg5[%add3A_15, %dma_wait3A_77, %dma_wait3A_78, %dma_wait3A_79, %dma_wait3A_80] : memref<200x8x32x8x128xf32, #tpu.memory_space<hbm>> -> memref<1x8x2x8x128xf32, #tpu.memory_space<hbm>>
      %dma_wait3A_82 = tpu.memref_squeeze %dma_wait3A_81 : memref<1x8x2x8x128xf32, #tpu.memory_space<hbm>> -> memref<8x2x8x128xf32, #tpu.memory_space<hbm>>
      tpu.wait_dma2 semaphore(%arg15 : memref<!tpu.dma_semaphore, #tpu.memory_space<semaphore_mem>>) src(%arg11 : memref<8x2x8x128xf32, #tpu.memory_space<vmem>>) dst(%dma_wait3A_82 : memref<8x2x8x128xf32, #tpu.memory_space<hbm>>)
    }
    return
  }
}

</mosaic_0001>

<sc_bundles>
// kernel: _run.3.cloned.1.call-start
scs
__scs_entry_jumppad:
0x0: {  	(pc) =	sbr.rel $0x88, $3  }
0x1: {  	(tag) =	ssettag $0x0;
	lr =	simm.s32 $0x1  }
0x2: {  	[smem:$0x3F9E] =	sst lr;
	_ =	strace $0xD0000000  }
0x3: {  	_ = 	snop  }
0x4: {  	_ = 	snop  }
0x5: {  	_ = 	snop  }
0x6: {  	_ = 	snop  }
0x7: {  	_ = 	snop  }
__scs_overlays_trampoline_lowered:
0x8: {  	[smem:$0x3FAD] =	sst s0  }
0x9: {  	[smem:$0x3FAE] =	sst s1  }
0xa: {  	[smem:$0x3FAF] =	sst s2  }
0xb: {  	[smem:$0x3FB0] =	sst s3  }
0xc: {  	[smem:$0x3FB1] =	sst s4  }
0xd: {  	[smem:$0x3FB2] =	sst s5  }
0xe: {  	[smem:$0x3FB3] =	sst s6  }
0xf: {  	[smem:$0x3FB4] =	sst s7  }
0x10: {  	[smem:$0x3FB5] =	sst s8  }
0x11: {  	[smem:$0x3FB6] =	sst s9;
	s0 =	simm.s32 @!p0 $0x0  }
0x12: {  	s1 =	sld [smem:$0x3F9C];
	s0 =	simm.s32 @p0 $0x1  }
0x13: {  	[smem:$0x3FB7] =	sst s0;
	s0 =	simm.s32 @!p1 $0x0  }
0x14: {  	s2 =	sld [smem:$0x3F9B];
	s0 =	simm.s32 @p1 $0x1  }
0x15: {  	[smem:$0x3FB8] =	sst s0;
	s0 =	simm.s32 @!p2 $0x0  }
0x16: {  	s3 =	sld [smem:$0x3FDB];
	s0 =	simm.s32 @p2 $0x1  }
0x17: {  	s4 =	simm.s32 $0x1BF5;
	[smem:$0x3FBA] =	sst s0  }
0x18: {  	s0 =	sld [smem:$0x3F9D];
	_ =	swait.ge [sflag:s4], $0x0  }
0x19: {  	s7 =	sld [smem:$0x3F9E]  }
0x1a: {  	s8 =	sadd.s32 $0xFFFFE003, lr  }
0x1b: {  	s9 =	sadd.s32 $0xFFFFFEF7, lr;
	s5 =	simm.s32 $0xFFFFFFFF;
	p2 =	slt.u32 s8, $0xFFFFF086  }
0x1c: {  	p1 =	slt.u32 s9, $0xF7A;
	s5 =	simm.s32 @!p2 $0x0  }
0x1d: {  	s5 =	simm.s32 @p1 $0x1;
	p0 =	seq.s32 s7, s2  }
0x1e: {  	s7 =	smul.u32 @!p0 $0xF7A, s2;
	p2 =	seq.s32 @!p0 s5, $0x0  }
0x1f: {  	s9 =	smul.u32 $0xF7A, s1;
	s8 =	simm.s32 @!p0 $0x1BF5;
	p2 =	por !p2, p0  }
0x20: {  	[sflag:s8] =	ssyncset.s32 @!p0 $0xFFFFF086;
	s6 =	sadd.s32 @!p0 s3, s7;
	s7 =	simm.s32 @!p0 $0x108  }
0x21: {  	s3 =	sadd.s32 s3, s9;
	s6 =	sadd.s32 @!p0 $0x88, s6;
	s7 =	simm.s32 @p2 $0x1082  }
0x22: {  	[simem:s7], [sflag:s8] =	dma.local @!p0 [hbm:s6], $0xF7A  }
0x23: {  	s9 =	sor.u32 $0xD0000000, s2;
	s6 =	simm.s32 $0x108;
	_ =	swait.ge @!p0 [sflag:s8], $0x0  }
0x24: {  	s3 =	sadd.s32 $0x88, s3;
	s6 =	simm.s32 @!p1 $0x1082;
	[sflag:s4] =	ssyncset.s32 $0xFFFFF086  }
0x25: {  	[simem:s6], [sflag:s4] =	dma.local [hbm:s3], $0xF7A  }
0x26: {  	[smem:$0x3F9E] =	sst s1;
	(tag) =	ssettag s2;
	_ =	strace s9  }
0x27: {  	s1 =	sld [smem:$0x3FAE]  }
0x28: {  	s2 =	sld [smem:$0x3FAF]  }
0x29: {  	s4 =	sld [smem:$0x3FB1]  }
0x2a: {  	p0 =	seq.s32 s5, $0x0;
	s5 =	sld [smem:$0x3FB2]  }
0x2b: {  	s6 =	sld [smem:$0x3FB3]  }
0x2c: {  	s7 =	sld [smem:$0x3FB4]  }
0x2d: {  	s3 =	simm.s32 $0x108;
	s8 =	sld [smem:$0x3FB5]  }
0x2e: {  	s3 =	simm.s32 @!p0 $0x1082;
	s9 =	sld [smem:$0x3FB6]  }
0x2f: {  	lr =	sadd.s32 s0, s3;
	s0 =	sld [smem:$0x3FAD]  }
0x30: {  	s3 =	sld [smem:$0x3FB0]  }
0x31: {  	[smem:$0x3FB9] =	sst s10  }
0x32: {  	s10 =	sld [smem:$0x3FB7];
	_ =	sdelay $0x3  }
0x33: {  	p0 =	seq.s32 s10, $0x1;
	s10 =	sld [smem:$0x3FB9];
	_ =	sdelay $0x3  }
0x34: {  	[smem:$0x3FB9] =	sst s10  }
0x35: {  	s10 =	sld [smem:$0x3FB8];
	_ =	sdelay $0x3  }
0x36: {  	p1 =	seq.s32 s10, $0x1;
	s10 =	sld [smem:$0x3FB9];
	_ =	sdelay $0x3  }
0x37: {  	[smem:$0x3FB9] =	sst s10  }
0x38: {  	s10 =	sld [smem:$0x3FBA]  }
0x39: {  	_ = 	snop;
	(pc) =	sbr.ind lr, $3  }
0x3a: {  	_ = 	snop  }
0x3b: {  	_ = 	snop  }
0x3c: {  	p2 =	seq.s32 s10, $0x1;
	s10 =	sld [smem:$0x3FB9]  }
0x3d: {  	_ =	shalt  }
0x3e: {  	_ =	shalt  }
0x3f: {  	_ =	shalt  }
0x40: {  	_ =	shalt  }
0x41: {  	_ =	shalt  }
0x42: {  	_ =	shalt  }
0x43: {  	_ =	shalt  }
0x44: {  	_ =	shalt  }
0x45: {  	_ =	shalt  }
0x46: {  	_ =	shalt  }
0x47: {  	_ =	shalt  }
0x48: {  	_ =	shalt  }
0x49: {  	_ =	shalt  }
0x4a: {  	_ =	shalt  }
0x4b: {  	_ =	shalt  }
0x4c: {  	_ =	shalt  }
0x4d: {  	_ =	shalt  }
0x4e: {  	_ =	shalt  }
0x4f: {  	_ =	shalt  }
0x50: {  	_ =	shalt  }
0x51: {  	_ =	shalt  }
0x52: {  	_ =	shalt  }
0x53: {  	_ =	shalt  }
0x54: {  	_ =	shalt  }
0x55: {  	_ =	shalt  }
0x56: {  	_ =	shalt  }
0x57: {  	_ =	shalt  }
0x58: {  	_ =	shalt  }
0x59: {  	_ =	shalt  }
0x5a: {  	_ =	shalt  }
0x5b: {  	_ =	shalt  }
0x5c: {  	_ =	shalt  }
0x5d: {  	_ =	shalt  }
0x5e: {  	_ =	shalt  }
0x5f: {  	_ =	shalt  }
0x60: {  	_ =	shalt  }
0x61: {  	_ =	shalt  }
0x62: {  	_ =	shalt  }
0x63: {  	_ =	shalt  }
0x64: {  	_ =	shalt  }
0x65: {  	_ =	shalt  }
0x66: {  	_ =	shalt  }
0x67: {  	_ =	shalt  }
0x68: {  	_ =	shalt  }
0x69: {  	_ =	shalt  }
0x6a: {  	_ =	shalt  }
0x6b: {  	_ =	shalt  }
0x6c: {  	_ =	shalt  }
0x6d: {  	_ =	shalt  }
0x6e: {  	_ =	shalt  }
0x6f: {  	_ =	shalt  }
0x70: {  	_ =	shalt  }
0x71: {  	_ =	shalt  }
0x72: {  	_ =	shalt  }
0x73: {  	_ =	shalt  }
0x74: {  	_ =	shalt  }
0x75: {  	_ =	shalt  }
0x76: {  	_ =	shalt  }
0x77: {  	_ =	shalt  }
0x78: {  	_ =	shalt  }
0x79: {  	_ =	shalt  }
0x7a: {  	_ =	shalt  }
0x7b: {  	_ =	shalt  }
0x7c: {  	_ =	shalt  }
0x7d: {  	_ =	shalt  }
0x7e: {  	_ =	shalt  }
0x7f: {  	_ =	shalt  }
0x80: {  	_ =	shalt  }
0x81: {  	_ =	shalt  }
0x82: {  	_ =	shalt  }
0x83: {  	_ =	shalt  }
0x84: {  	_ =	shalt  }
0x85: {  	_ =	shalt  }
0x86: {  	_ =	shalt  }
0x87: {  	_ =	shalt  }
.Lfunc_end0:
.L_simem_size_0:
called_computation_lowered:
.L_overlay_start_0:
0x88: {  	s2 =	sld [smem:$0x3FD9]  }
0x89: {  	s3 =	sld [smem:$0x3FFE];
	_ =	sdelay $0x1  }
0x8a: {  	s1 =	srdreg.scid  }
0x8b: {  	s0 =	sand.u32 $0x1, s1  }
0x8c: {  	s17 =	sshll.u32 s0, $0xA;
	s2 =	sadd.s32 s3, s2  }
0x8d: {  	s2 =	sadd.s32 s2, s17  }
0x8e: {  	[smem:$0x3FC5] =	sst s2  }
0x8f: {  	_ = 	snop  }
0x90: {  	s2 =	sld [smem:$0x3FC9]  }
0x91: {  	s18 =	sld [smem:$0x3FD0];
	(tm) =	ssettm $0x1  }
0x92: {  	s4 =	sld [smem:$0x3FFB];
	_ =	sdelay $0x3  }
0x93: {  	_ =	strace s4  }
0x94: {  	s4 =	sld [smem:$0x3FFC];
	_ =	sdelay $0x3  }
0x95: {  	_ =	strace s4  }
0x96: {  	s4 =	sld [smem:$0x3FFD];
	_ =	sdelay $0x3  }
0x97: {  	_ =	strace s4  }
0x98: {  	_ =	strace $0x8FFFFFFF  }
0x99: {  	s19 =	sld [smem:$0x3FDB];
	_ =	sdelay $0x1  }
0x9a: {  	s5 =	simm.s32 $_scs_section_size  }
0x9b: {  	s6 =	simm.s32 $_size__tile_overlayer_lowered;
	s7 =	simm.s32 $_tile_overlayer_lowered  }
0x9c: {  	s22 =	simm.s32 $0x1BFF;
	s21 =	sshll.u32 s7, $0x1;
	s4 =	sadd.s32 s5, s19  }
0x9d: {  	s8 =	simm.s32 $0x0;
	s20 =	sshll.u32 s6, $0x1;
	s6 =	sadd.s32 s21, s4  }
0x9e: {  	[timem:s8], [sflag:s22] =	dma.local [hbm:s6], s20  }
0x9f: {  	_ =	swait.ge [sflag:s22], s20  }
0xa0: {  	s5 =	ssub.s32 $0x0, s20;
	[sflag:s22] =	ssyncset.done $0x0  }
0xa1: {  	[sflag:s22] =	ssyncadd.s32 s5;
	_ =	sdelay $0x1  }
0xa2: {  	s23 =	simm.s32 $0x1B8B  }
0xa3: {  	_ =	swait.ge [sflag:s23], $0x1  }
0xa4: {  	[sflag:s23] =	ssyncset.done $0x0  }
0xa5: {  	s25 =	simm.s32 $0x1B8E;
	s24 =	sld [smem:$0x3FFE];
	[sflag:s23] =	ssyncadd.s32 $0xFFFFFFFF  }
0xa6: {  	s26 =	simm.s32 $execute0_lowered;
	[smem:$0x3FD2] =	sst s25  }
0xa7: {  	s6 =	sshll.u32 s26, $0x1;
	_ =	strace $0x80000046;
	[dreg:$0x1] =	wrdreg $0xFFFFFFFF  }
0xa8: {  	s28 =	simm.s32 $_size_execute0_lowered;
	s4 =	sadd.s32 s4, s6;
	[dreg:$0x0] =	wrdreg $0x0  }
0xa9: {  	s6 =	sshll.u32 s28, $0x1;
	[dreg:$0x2] =	wrdreg s4  }
0xaa: {  	[dreg:$0x3] =	wrdreg s6  }
0xab: {  	[dreg:$0x4] =	wrdreg $0xC0  }
0xac: {  	_ =	task [dreg:s8], $0x5FFFF  }
0xad: {  	[dreg:$0x1] =	wrdreg $0xFFFFFFFF  }
0xae: {  	[dreg:$0x0] =	wrdreg $0x60  }
0xaf: {  	[dreg:$0x2] =	wrdreg s24  }
0xb0: {  	[dreg:$0x3] =	wrdreg s2  }
0xb1: {  	[dreg:$0x4] =	wrdreg s18  }
0xb2: {  	[dreg:$0x5] =	wrdreg $0x9  }
0xb3: {  	_ =	task.clear_ibuf [dreg:s8], $0x6FFFF;
	_ =	strace $0x90000046  }
0xb4: {  	s29 =	simm.s32 $0x9;
	_ =	strace $0x80000048  }
0xb5: {  	_ =	swait.ge [sflag:s29], $0x1  }
0xb6: {  	[sflag:s29] =	ssyncadd.s32 $0xFFFFFFFF  }
0xb7: {  	_ =	strace $0x90000048  }
0xb8: {  	_ =	sfence  }
0xb9: {  	s30 =	sld [smem:$0x0];
	_ =	sdelay $0x2  }
0xba: {  	s31 =	sshll.u32 s1, $0xD;
	s1 =	sshrl.u32 s1, $0x2  }
0xbb: {  	s3 =	sand.u32 $0x4000, s31;
	s1 =	sadd.s32 s1, s30  }
0xbc: {  	s0 =	sor.u32 s3, s0;
	s1 =	sshll.u32 s1, $0x11  }
0xbd: {  	s0 =	sor.u32 s1, s0  }
0xbe: {  	s0 =	sadd.s32 $0x8F2B, s0  }
0xbf: {  	[sflag:s0] =	ssyncadd.remote.s32 $0x1  }
0xc0: {  	_ =	sfence.sel $0xFFFF  }
0xc1: {  	[dreg:$0x0] =	wrdreg $0xFFFFFFFF;
	(pc) =	sbr.abs _section_cstart, $3  }
0xc2: {  	[dreg:$0x1] =	wrdreg $0xFFFFFFFF  }
0xc3: {  	_ =	task.clear_ibuf [dreg:s8], $0x2FFFF;
	_ =	strace $0x9FFFFFFF  }
0xc4: {  	(tm) =	ssettm $0x7FFFFFFF  }
0xc5: {  	_ =	shalt  }
tec
execute0_lowered:
.L_overlay_start_1:
0x0: {  	(tag) =	ssettag $0x1  }
0x1: {  	s0 =	rddreg [dreg:$0x0]  }
0x2: {  	s3 =	rddreg [dreg:$0x2]  }
0x3: {  	s11 =	simm.s32 $0x0;
	s1 =	srdreg.scid;
	s5 =	stileid.u32  }
0x4: {  	s9 =	simm.s32 $0x6;
	s13 =	simm.s32 $0x5;
	s15 =	simm.s32 $0x80  }
0x5: {  	s16 =	simm.s32 $0x1400;
	s17 =	simm.s32 $0x3400;
	s19 =	simm.s32 $0x5400  }
0x6: {  	s21 =	simm.s32 $0x7400;
	s22 =	simm.s32 $0x1;
	s23 =	simm.s32 $0x800  }
0x7: {  	s29 =	simm.s32 $0x2;
	s30 =	simm.s32 $0xD400;
	s31 =	simm.s32 $0x300  }
0x8: {  	s10 =	simm.s32 $0x4;
	[smem:$0x7FF] =	sst s11;
	s4 =	sand.u32 $0x1, s1  }
0x9: {  	s6 =	sadd.s32 $0xF42A00, s0;
	s7 =	sadd.s32 $0x600, s0;
	s25 =	sshll.u32 s5, $0x13  }
0xa: {  	s8 =	sshll.u32 s5, $0x1;
	p0 =	sgt.u32 s5, $0x3;
	s1 =	ssub.s32 $0x2, s4  }
0xb: {  	s5 =	simm.s32 $0x3;
	s2 =	sshll.u32 s4, $0x12;
	s24 =	sshrl.u32 s1, $0x1  }
0xc: {  	_ =	strace $0x80000047;
	s0 =	ssub.s32 s1, s24;
	s1 =	sor.u32 s2, s25  }
.Ltmp0:
0xd: {  	s9 =	simm.s32 @!p0 $0x7;
	s2 =	sor.u32 $0x1800, s1;
	(pc) =	sbr.rel .LBB2_1-.Ltmp0, $4  }
0xe: {  	s1 =	sor.u32 $0x1000, s1;
	s0 =	smax.u32 s0, $0x1;
	s2 =	sshrl.u32 s2, $0x3  }
0xf: {  	s1 =	sshrl.u32 s1, $0x3;
	[dreg:$0x5] =	wrdreg s0;
	s26 =	sadd.s32 s2, s3  }
0x10: {  	s24 =	simm.s32 $0x8000;
	s28 =	sadd.s32 s1, s3;
	[dreg:$0x6] =	wrdreg s26  }
0x11: {  	s25 =	simm.s32 $0x9400;
	s0 =	simm.s32 $0x380;
	[dreg:$0x7] =	wrdreg s28  }
.LBB2_6:
0x12: {  	s11 =	rddreg [dreg:$0x4]  }
0x13: {  	s1 =	rddreg [dreg:$0x5];
	s11 =	sadd.s32 $0x1, s11  }
0x14: {  	p0 =	sne.s32 s11, s1  }
.Ltmp1:
0x15: {  	_ = 	snop;
	(pc) =	sbr.rel @!p0 .LBB2_7-.Ltmp1, $1  }
0x16: {  	_ =	sdelay $0x3  }
.LBB2_1:
.Ltmp2:
0x17: {  	(pc) =	sbr.rel .LBB2_2-.Ltmp2, $4  }
0x18: {  	_ = 	snop  }
0x19: {  	[dreg:$0x4] =	wrdreg s11  }
0x1a: {  	s2 =	rddreg [dreg:$0x7]  }
0x1b: {  	s14 =	rddreg [dreg:$0x6];
	s3 =	simm.s32 $0x0  }
.LBB2_5:
0x1c: {  	s3 =	sadd.s32 $0x1, s3  }
0x1d: {  	_ =	swait.ge [sflag:s5], $0x4000;
	p0 =	sne.s32 s3, s9  }
.Ltmp3:
0x1e: {  	[sflag:s5] =	ssyncset.done $0x0;
	(pc) =	sbr.rel @!p0 .LBB2_6-.Ltmp3, $4  }
0x1f: {  	[sflag:s5] =	ssyncadd.s32 $0xFFFFC000  }
0x20: {  	_ =	swait.ge [sflag:s10], $0x4000  }
0x21: {  	[sflag:s10] =	ssyncset.done $0x0  }
0x22: {  	s14 =	sadd.s32 $0x100000, s14;
	s2 =	sadd.s32 $0x100000, s2;
	[sflag:s10] =	ssyncadd.s32 $0xFFFFC000  }
.LBB2_2:
0x23: {  	s1 =	sshll.u32 s3, $0x5  }
0x24: {  	s1 =	sor.u32 s1, s8  }
0x25: {  	s11 =	sor.u32 s4, s1  }
0x26: {  	s12 =	rddreg [dreg:$0x1];
	s1 =	sshll.u32 s11, $0x9  }
0x27: {  	s12 =	sadd.s32 s12, s1;
	s1 =	simm.s32 $0x0  }
0x28: {  	[tilespmem:s1], [sflag:$0x5] =	stream.linear.gather [hbm4b:s12+s1], $0x1000, $0x38;
	[tilespmem:$0x11400] =	vst v63  }
0x29: {  	_ =	swait.ge [sflag:s13], $0x1000  }
0x2a: {  	s26 =	sshll.u32 s11, $0x7;
	[sflag:s13] =	ssyncset.done $0x0  }
0x2b: {  	s18 =	simm.s32 $0x1000;
	s12 =	sadd.s32 s7, s26;
	[sflag:s13] =	ssyncadd.s32 $0xFFFFF000  }
0x2c: {  	[tilespmem:s18], [sflag:$0x5] =	stream.linear.gather [hbm4b:s12+s1], $0x400, $0x38;
	[tilespmem:$0x11400] =	vst v63  }
0x2d: {  	_ =	swait.ge [sflag:s13], $0x400  }
0x2e: {  	[sflag:s13] =	ssyncset.done $0x0  }
0x2f: {  	[sflag:s13] =	ssyncadd.s32 $0xFFFFFC00  }
0x30: {  	[tilespmem:s16], [sflag:$0x1] =	stream.indirect.gather [hbm4b:s6+s15], $0x40, s1, s15, $0xb8;
	[tilespmem:$0x11400] =	vst v63  }
0x31: {  	_ = 	snop  }
0x32: {  	[tilespmem:s17], [sflag:$0x1] =	stream.indirect.gather [hbm4b:s6+s15], $0x40, s15, s15, $0xb8;
	[tilespmem:$0x11400] =	vst v63  }
0x33: {  	s28 =	simm.s32 $0x100  }
0x34: {  	[tilespmem:s19], [sflag:$0x2] =	stream.indirect.gather [hbm4b:s6+s15], $0x40, s28, s15, $0xb8;
	[tilespmem:$0x11400] =	vst v63  }
0x35: {  	s18 =	simm.s32 $0x180  }
0x36: {  	[tilespmem:s21], [sflag:$0x2] =	stream.indirect.gather [hbm4b:s6+s15], $0x40, s18, s15, $0xb8;
	[tilespmem:$0x11400] =	vst v63  }
0x37: {  	_ =	swait.ge [sflag:s22], $0x2000  }
0x38: {  	[sflag:s22] =	ssyncset.done $0x0  }
0x39: {  	[sflag:s22] =	ssyncadd.s32 $0xFFFFE000  }
0x3a: {  	_ =	swait.ge [sflag:s22], $0x2000  }
0x3b: {  	[sflag:s22] =	ssyncset.done $0x0  }
0x3c: {  	s11 =	sshll.u32 s11, $0xF;
	[sflag:s22] =	ssyncadd.s32 $0xFFFFE000  }
0x3d: {  	s11 =	sand.u32 $0x1FFF8000, s11;
	s20 =	rddreg [dreg:$0x2]  }
0x3e: {  	s11 =	sadd.s32 s20, s11  }
0x3f: {  	[hbm4b:s11+s23] =	stream.strided.scatter [tilespmem:s25], [sflag:$0x3], $0x4000, s24, s23, $0x38;
	[tilespmem:$0x11400] =	vst v63  }
0x40: {  	s26 =	simm.s32 $0x200  }
0x41: {  	[tilespmem:s16], [sflag:$0x1] =	stream.indirect.gather [hbm4b:s6+s15], $0x40, s26, s15, $0xb8;
	[tilespmem:$0x11400] =	vst v63  }
0x42: {  	s28 =	simm.s32 $0x280  }
0x43: {  	[tilespmem:s17], [sflag:$0x1] =	stream.indirect.gather [hbm4b:s6+s15], $0x40, s28, s15, $0xb8;
	[tilespmem:$0x11400] =	vst v63  }
0x44: {  	_ =	swait.ge [sflag:s29], $0x2000  }
0x45: {  	[sflag:s29] =	ssyncset.done $0x0  }
0x46: {  	[sflag:s29] =	ssyncadd.s32 $0xFFFFE000  }
0x47: {  	_ =	swait.ge [sflag:s29], $0x2000  }
0x48: {  	[sflag:s29] =	ssyncset.done $0x0  }
0x49: {  	s11 =	sadd.s32 $0x100, s11;
	[sflag:s29] =	ssyncadd.s32 $0xFFFFE000  }
0x4a: {  	[hbm4b:s11+s23] =	stream.strided.scatter [tilespmem:s30], [sflag:$0x4], $0x4000, s24, s23, $0x38;
	[tilespmem:$0x11400] =	vst v63  }
0x4b: {  	_ = 	snop  }
0x4c: {  	[tilespmem:s19], [sflag:$0x2] =	stream.indirect.gather [hbm4b:s6+s15], $0x40, s31, s15, $0xb8;
	[tilespmem:$0x11400] =	vst v63  }
0x4d: {  	s12 =	smov.u32 s2;
	s11 =	smov.u32 s14  }
0x4e: {  	[tilespmem:s21], [sflag:$0x2] =	stream.indirect.gather [hbm4b:s6+s15], $0x40, s0, s15, $0xb8;
	[tilespmem:$0x11400] =	vst v63  }
.LBB2_3:
0x4f: {  	_ =	swait.ge [sflag:s22], $0x2000  }
0x50: {  	[sflag:s22] =	ssyncset.done $0x0  }
0x51: {  	[sflag:s22] =	ssyncadd.s32 $0xFFFFE000  }
0x52: {  	_ =	swait.ge [sflag:s22], $0x2000  }
0x53: {  	[sflag:s22] =	ssyncset.done $0x0  }
0x54: {  	[sflag:s22] =	ssyncadd.s32 $0xFFFFE000  }
0x55: {  	_ =	swait.ge [sflag:s5], $0x4000  }
0x56: {  	p0 =	seq.s32 s1, $0x3000;
	[sflag:s5] =	ssyncset.done $0x0  }
0x57: {  	s18 =	sshra.s32 @!p0 s1, $0x2;
	[sflag:s5] =	ssyncadd.s32 $0xFFFFC000  }
0x58: {  	[hbm4b:s12+s23] =	stream.strided.scatter [tilespmem:s25], [sflag:$0x3], $0x4000, s24, s23, $0x38;
	[tilespmem:$0x11400] =	vst v63  }
0x59: {  	s26 =	simm.s32 @!p0 $0x80;
	s28 =	simm.s32 @!p0 $0x1400;
	s20 =	sadd.s32 @!p0 $0x400, s18  }
0x5a: {  	[tilespmem:s28], [sflag:$0x1] =	stream.indirect.gather @!p0 [hbm4b:s6+s26], $0x40, s20, s26, $0xb8;
	[tilespmem:$0x11400] =	vst v63  }
0x5b: {  	s18 =	sadd.s32 @!p0 $0x480, s18;
	s20 =	simm.s32 @!p0 $0x3400  }
0x5c: {  	[tilespmem:s20], [sflag:$0x1] =	stream.indirect.gather @!p0 [hbm4b:s6+s26], $0x40, s18, s26, $0xb8;
	[tilespmem:$0x11400] =	vst v63  }
0x5d: {  	_ =	swait.ge [sflag:s29], $0x2000  }
0x5e: {  	[sflag:s29] =	ssyncset.done $0x0  }
0x5f: {  	[sflag:s29] =	ssyncadd.s32 $0xFFFFE000  }
0x60: {  	_ =	swait.ge [sflag:s29], $0x2000  }
0x61: {  	[sflag:s29] =	ssyncset.done $0x0  }
.Ltmp4:
0x62: {  	[sflag:s29] =	ssyncadd.s32 $0xFFFFE000;
	(pc) =	sbr.rel @p0 .LBB2_5-.Ltmp4, $4  }
0x63: {  	_ =	swait.ge [sflag:s10], $0x4000  }
0x64: {  	[sflag:s10] =	ssyncset.done $0x0  }
0x65: {  	[sflag:s10] =	ssyncadd.s32 $0xFFFFC000  }
0x66: {  	[hbm4b:s11+s23] =	stream.strided.scatter [tilespmem:s30], [sflag:$0x4], $0x4000, s24, s23, $0x38;
	[tilespmem:$0x11400] =	vst v63  }
.Ltmp5:
0x67: {  	s18 =	sshra.s32 s1, $0x2;
	(pc) =	sbr.rel .LBB2_3-.Ltmp5, $4  }
0x68: {  	s1 =	sadd.s32 $0x800, s1;
	s20 =	sadd.s32 $0x500, s18  }
0x69: {  	[tilespmem:s19], [sflag:$0x2] =	stream.indirect.gather [hbm4b:s6+s15], $0x40, s20, s15, $0xb8;
	[tilespmem:$0x11400] =	vst v63  }
0x6a: {  	s11 =	sadd.s32 $0x200, s11;
	s12 =	sadd.s32 $0x200, s12;
	s18 =	sadd.s32 $0x580, s18  }
0x6b: {  	[tilespmem:s21], [sflag:$0x2] =	stream.indirect.gather [hbm4b:s6+s15], $0x40, s18, s15, $0xb8;
	[tilespmem:$0x11400] =	vst v63  }
.LBB2_7:
0x6c: {  	_ =	sfence.sel $0x180000  }
0x6d: {  	[bflag:$0x0] =	sbarrier.arrive $0xFFFF  }
0x6e: {  	_ =	strace $0x90000047  }
0x6f: {  	s0 =	stileid.u32;
	[bflag:$0x2] =	sbarrier.arrive $0xFFFF  }
0x70: {  	p0 =	sne.s32 s0, $0x0;
	s0 =	rddreg [dreg:$0x3]  }
0x71: {  	s0 =	sadd.s32 @!p0 $0x100000, s0  }
0x72: {  	[sflag:s0] =	ssyncadd.tile.s32 @!p0 $0x1;
	_ =	shalt  }
.Lfunc_end2:
_tile_overlayer_lowered:
.L_overlay_start_2:
0x73: {  	(tag) =	ssettag $0x2  }
0x74: {  	s0 =	rddreg [dreg:$0x0];
	s2 =	stileid.u32  }
0x75: {  	s1 =	rddreg [dreg:$0x1];
	p0 =	sne.s32 s2, $0x0  }
0x76: {  	s3 =	rddreg [dreg:$0x2];
	[bflag:$0x3] =	sbarrier.arrive $0xFFFF;
	s2 =	simm.s32 @!p0 $0x1C05  }
0x77: {  	[timem:s3], [sflag:s2] =	dma.local @!p0 [hbm:s0], s1  }
0x78: {  	s0 =	simm.s32 @!p0 $0x5  }
0x79: {  	_ =	swait.ge @!p0 [sflag:s0], s1  }
0x7a: {  	s1 =	ssub.s32 @!p0 $0x0, s1;
	[sflag:s0] =	ssyncset.done @!p0 $0x0  }
0x7b: {  	[sflag:s0] =	ssyncadd.s32 @!p0 s1  }
0x7c: {  	[bflag:$0x3] =	sbarrier.arrive $0xFFFF  }
0x7d: {  	_ =	shalt  }

</sc_bundles>
